<compile_context>
chip_gen: v7x
topology: tpu7x:2x2x1
jax: 0.10.2.dev20260603
libtpu: 0.0.44.dev20260713+nightly
codegen_flags: <defaults>
</compile_context>

<pallas_src>
import jax
import jax.numpy as jnp
from jax import lax
from jax.experimental import pallas as pl
from jax.experimental.pallas import tpu as pltpu
from jax.experimental.pallas import tpu_sc as plsc

B = 16384
E = 128
NCELL = 100000
NC = 2
NS = 16
NW = NC * NS
BPW = B // NW
CHUNK = 128
NCHUNK = BPW // CHUNK
LANES = 16
RBLK = 4096
NSTEP = B // RBLK


def _sc_body(logits_hbm, aflat_hbm, bflat_hbm, cell_hbm, edge_hbm,
             rows_out, sel_out, a_out, b_out,
             cell_v, edge_v, fi_v, rows_v, sel_v, a_v, b_v, semr, seme,
             semw):
    wid = lax.axis_index("s") * NC + lax.axis_index("c")
    pltpu.sync_copy(cell_hbm.at[pl.ds(wid * NCHUNK, NCHUNK)], cell_v)
    pltpu.sync_copy(edge_hbm.at[pl.ds(wid * NCHUNK, NCHUNK)], edge_v)
    for j in range(NCHUNK):
        for k in range(CHUNK // LANES):
            c = cell_v[j, pl.ds(k * LANES, LANES)]
            e = edge_v[j, pl.ds(k * LANES, LANES)]
            fi_v[j, pl.ds(k * LANES, LANES)] = c * E + e
    base = wid * BPW
    row_copies = []
    for j in range(NCHUNK):
        row_copies.append(pltpu.async_copy(
            logits_hbm.at[cell_v.at[j]], rows_v.at[pl.ds(j * CHUNK, CHUNK)],
            semr))
    elem_copies = []
    for j in range(NCHUNK):
        elem_copies.append(pltpu.async_copy(
            aflat_hbm.at[fi_v.at[j]], a_v.at[pl.ds(j * CHUNK, CHUNK)], seme))
        elem_copies.append(pltpu.async_copy(
            bflat_hbm.at[fi_v.at[j]], b_v.at[pl.ds(j * CHUNK, CHUNK)], seme))
    write_copies = []
    for j in range(NCHUNK):
        row_copies[j].wait()
        write_copies.append(pltpu.async_copy(
            rows_v.at[pl.ds(j * CHUNK, CHUNK)],
            rows_out.at[pl.ds(base + j * CHUNK, CHUNK)], semw))
        for k in range(CHUNK // LANES):
            rl = lax.iota(jnp.int32, LANES) + (j * CHUNK + k * LANES)
            e = edge_v[j, pl.ds(k * LANES, LANES)]
            sel_v[pl.ds(j * CHUNK + k * LANES, LANES)] = plsc.load_gather(
                rows_v, [rl, e])
    for c in elem_copies:
        c.wait()
    pltpu.sync_copy(sel_v, sel_out.at[pl.ds(base, BPW)])
    pltpu.sync_copy(a_v, a_out.at[pl.ds(base, BPW)])
    pltpu.sync_copy(b_v, b_out.at[pl.ds(base, BPW)])
    for c in write_copies:
        c.wait()


_sc_gather = pl.kernel(
    _sc_body,
    out_type=(
        jax.ShapeDtypeStruct((B, E), jnp.float32),
        jax.ShapeDtypeStruct((B,), jnp.float32),
        jax.ShapeDtypeStruct((B,), jnp.float32),
        jax.ShapeDtypeStruct((B,), jnp.float32),
    ),
    mesh=plsc.VectorSubcoreMesh(core_axis_name="c", subcore_axis_name="s"),
    compiler_params=pltpu.CompilerParams(needs_layout_passes=False),
    scratch_types=[
        pltpu.VMEM((NCHUNK, CHUNK), jnp.int32),
        pltpu.VMEM((NCHUNK, CHUNK), jnp.int32),
        pltpu.VMEM((NCHUNK, CHUNK), jnp.int32),
        pltpu.VMEM((BPW, E), jnp.float32),
        pltpu.VMEM((BPW,), jnp.float32),
        pltpu.VMEM((BPW,), jnp.float32),
        pltpu.VMEM((BPW,), jnp.float32),
        pltpu.SemaphoreType.DMA,
        pltpu.SemaphoreType.DMA,
        pltpu.SemaphoreType.DMA,
    ],
)


_HALF_LOG_2PI = 0.9189385332046727
_LOG2E = 1.4426950408889634
_LN2 = 0.6931471805599453


def _exp(x):
    return jnp.exp2(x * _LOG2E)


def _log(x):
    return jnp.log2(x) * _LN2


def _lgamma(x):
    x4 = x + 4.0
    z = 1.0 / x4
    z2 = z * z
    series = z * (0.08333333333333333 +
                  z2 * (-0.002777777777777778 + z2 * 0.0007936507936507937))
    st = (x4 - 0.5) * _log(x4) - x4 + _HALF_LOG_2PI + series
    prod = x * (x + 1.0) * (x + 2.0) * (x + 3.0)
    return st - _log(prod)


def _tc_body(rows_ref, sel_ref, a_ref, b_ref, t_ref, o_ref, lse_s):
    g = pl.program_id(0)

    x3 = rows_ref[...].reshape(RBLK // E, E, E)
    m3 = jnp.max(x3, axis=2)
    s3 = jnp.sum(_exp(x3 - m3[:, :, None]), axis=2)
    lse_s[pl.ds(g * (RBLK // E), RBLK // E), :] = m3 + _log(s3)

    @pl.when(g == NSTEP - 1)
    def _finish():
        lse = lse_s[...]
        sel = sel_ref[...]
        a = a_ref[...]
        b = b_ref[...]
        t = t_ref[...]
        p = _exp(sel - lse)
        log_edge = _log(p + 1e-10)
        log_t = ((a - 1.0) * _log(t) + (b - 1.0) * _log(1.0 - t)
                 + _lgamma(a + b) - _lgamma(a) - _lgamma(b))
        o_ref[...] = log_edge + log_t


def _tc_call(rows, sel2, a2, b2, t2):
    vec_spec = pl.BlockSpec((B // E, E), lambda g: (0, 0))
    return pl.pallas_call(
        _tc_body,
        grid=(NSTEP,),
        in_specs=[
            pl.BlockSpec((RBLK, E), lambda g: (g, 0)),
            vec_spec, vec_spec, vec_spec, vec_spec,
        ],
        out_specs=pl.BlockSpec((B // E, E), lambda g: (0, 0)),
        out_shape=jax.ShapeDtypeStruct((B // E, E), jnp.float32),
        scratch_shapes=[pltpu.VMEM((B // E, E), jnp.float32)],
    )(rows, sel2, a2, b2, t2)


def kernel(edge_logits, alpha, beta, t, cell_idx, edge_idx):
    cell = cell_idx.astype(jnp.int32).reshape(B // CHUNK, CHUNK)
    edge = edge_idx.astype(jnp.int32).reshape(B // CHUNK, CHUNK)
    aflat = lax.optimization_barrier(alpha.reshape(-1))
    bflat = lax.optimization_barrier(beta.reshape(-1))
    rows, sel, a_g, b_g = _sc_gather(edge_logits, aflat, bflat, cell, edge)
    out2 = _tc_call(rows, sel.reshape(B // E, E), a_g.reshape(B // E, E),
                    b_g.reshape(B // E, E),
                    t.astype(jnp.float32).reshape(B // E, E))
    return out2.reshape(B)

# --- scband reference (transcript-rebuilt; emitter-appended) ---
"""Pipeline reference for scband-tree-variational-posterior-45243185496349 (READ-ONLY COPY).

The authoritative reference and input builder live on the scoring server;
editing this copy changes nothing except your own understanding.
"""

import jax, jax.numpy as jnp
import numpy as np

N_CELLS = 100000
N_EDGES = 128
B = 16384

def setup_inputs(seed: int = 0) -> dict:
    key = jax.random.key(seed)
    k1, k2, k3, k4, k5, k6 = jax.random.split(key, 6)
    edge_logits = jax.random.normal(k1, (N_CELLS, N_EDGES), dtype=jnp.float32)
    alpha = jax.random.uniform(k2, (N_CELLS, N_EDGES), minval=0.5, maxval=3.0, dtype=jnp.float32)
    beta = jax.random.uniform(k3, (N_CELLS, N_EDGES), minval=0.5, maxval=3.0, dtype=jnp.float32)
    cell_idx = jax.random.randint(k4, (B,), 0, N_CELLS)
    edge_idx = jax.random.randint(k5, (B,), 0, N_EDGES)
    t = jax.random.uniform(k6, (B,), minval=0.01, maxval=0.99, dtype=jnp.float32)
    return {"edge_logits": edge_logits, "alpha": alpha, "beta": beta, "t": t, "cell_idx": cell_idx, "edge_idx": edge_idx}

def reference(edge_logits, alpha, beta, t, cell_idx, edge_idx):
    # log_q(cell_idx, edge_idx, t): Categorical log-prob over edges + Beta log-prob over pseudotime
    logits = jnp.take(edge_logits, cell_idx, axis=0)          # [B, E] gather
    edge_probs = jax.nn.softmax(logits, axis=-1)              # [B, E]
    p = jnp.take_along_axis(edge_probs, edge_idx[:, None], axis=1)[:, 0]
    log_edge_prob = jnp.log(p + 1e-10)
    a = alpha[cell_idx, edge_idx]                             # gather [B]
    b = beta[cell_idx, edge_idx]                              # gather [B]
    lgam = jax.scipy.special.gammaln
    log_t_prob = (a - 1.0) * jnp.log(t) + (b - 1.0) * jnp.log1p(-t) \
                 + lgam(a + b) - lgam(a) - lgam(b)
    return log_edge_prob + log_t_prob

if __name__ == "__main__":
    import jax
    _d = setup_inputs()
    print(jax.jit(kernel)(*tuple(_d.values())))

</pallas_src>

<mosaic_0001>
#map = affine_map<(d0, d1) -> (0, 0)>
#map1 = affine_map<(d0, d1) -> (0)>
module attributes {stable_mosaic.version = 14 : i64} {
  func.func @_sc_body(%arg0: i32, %arg1: i32, %arg2: memref<100000x128xf32, #tpu.memory_space<hbm>>, %arg3: memref<12800000xf32, #tpu.memory_space<hbm>>, %arg4: memref<12800000xf32, #tpu.memory_space<hbm>>, %arg5: memref<128x128xi32, #tpu.memory_space<hbm>>, %arg6: memref<128x128xi32, #tpu.memory_space<hbm>>, %arg7: memref<16384x128xf32, #tpu.memory_space<hbm>>, %arg8: memref<16384xf32, #tpu.memory_space<hbm>>, %arg9: memref<16384xf32, #tpu.memory_space<hbm>>, %arg10: memref<16384xf32, #tpu.memory_space<hbm>>, %arg11: memref<4x128xi32, #tpu.memory_space<vmem>>, %arg12: memref<4x128xi32, #tpu.memory_space<vmem>>, %arg13: memref<4x128xi32, #tpu.memory_space<vmem>>, %arg14: memref<512x128xf32, #tpu.memory_space<vmem>>, %arg15: memref<512xf32, #tpu.memory_space<vmem>>, %arg16: memref<512xf32, #tpu.memory_space<vmem>>, %arg17: memref<512xf32, #tpu.memory_space<vmem>>, %arg18: memref<!tpu.dma_semaphore, #tpu.memory_space<semaphore_mem>>, %arg19: memref<!tpu.dma_semaphore, #tpu.memory_space<semaphore_mem>>, %arg20: memref<!tpu.dma_semaphore, #tpu.memory_space<semaphore_mem>>) attributes {dimension_semantics = [#tpu.dimension_semantics<core_parallel>, #tpu.dimension_semantics<subcore_parallel>], iteration_bounds = array<i64: 2, 16>, scalar_prefetch = 0 : i64, scratch_operands = 10 : i64, tpu.core_type = #tpu.core_type<sc_vector_subcore>, window_params = [{transform_indices = #map}, {transform_indices = #map1}, {transform_indices = #map1}, {transform_indices = #map}, {transform_indices = #map}, {transform_indices = #map}, {transform_indices = #map1}, {transform_indices = #map1}, {transform_indices = #map1}]} {
    %mul3A = arith.constant 2 : i32
    %mul3A_0 = arith.muli %arg1, %mul3A : i32
    %add3A = arith.addi %mul3A_0, %arg0 : i32
    %mul3A_1 = arith.constant 4 : i32
    %mul3A_2 = arith.muli %add3A, %mul3A_1 : i32
    "tpu.region"() ({
      %run_scoped3A = tpu.sem_alloc : memref<!tpu.dma_semaphore, #tpu.memory_space<semaphore_mem>>
      %dma_start3A_1161 = arith.constant 0 : i32
      %dma_start3A_1162 = tpu.memref_slice %arg5[%mul3A_2, %dma_start3A_1161] : memref<128x128xi32, #tpu.memory_space<hbm>> -> memref<4x128xi32, #tpu.memory_space<hbm>>
      %dma_start3A_1163 = arith.constant 0 : i32
      %dma_start3A_1164 = tpu.memref_slice %arg5[%mul3A_2, %dma_start3A_1163] : memref<128x128xi32, #tpu.memory_space<hbm>> -> memref<4x128xi32, #tpu.memory_space<hbm>>
      tpu.enqueue_dma source(%dma_start3A_1164 : memref<4x128xi32, #tpu.memory_space<hbm>>) target(%arg11 : memref<4x128xi32, #tpu.memory_space<vmem>>) target_semaphore(%run_scoped3A : memref<!tpu.dma_semaphore, #tpu.memory_space<semaphore_mem>>)
      %dma_wait3A_1165 = arith.constant 0 : i32
      %dma_wait3A_1166 = tpu.memref_slice %arg5[%mul3A_2, %dma_wait3A_1165] : memref<128x128xi32, #tpu.memory_space<hbm>> -> memref<4x128xi32, #tpu.memory_space<hbm>>
      %dma_wait3A_1167 = arith.constant 0 : i32
      %dma_wait3A_1168 = tpu.memref_slice %arg5[%mul3A_2, %dma_wait3A_1167] : memref<128x128xi32, #tpu.memory_space<hbm>> -> memref<4x128xi32, #tpu.memory_space<hbm>>
      tpu.wait_dma2 semaphore(%run_scoped3A : memref<!tpu.dma_semaphore, #tpu.memory_space<semaphore_mem>>) src(%dma_wait3A_1168 : memref<4x128xi32, #tpu.memory_space<hbm>>) dst(%arg11 : memref<4x128xi32, #tpu.memory_space<vmem>>)
      tpu.yield
    }) : () -> ()
    %mul3A_3 = arith.constant 4 : i32
    %mul3A_4 = arith.muli %add3A, %mul3A_3 : i32
    "tpu.region"() ({
      %run_scoped3A = tpu.sem_alloc : memref<!tpu.dma_semaphore, #tpu.memory_space<semaphore_mem>>
      %dma_start3A_1161 = arith.constant 0 : i32
      %dma_start3A_1162 = tpu.memref_slice %arg6[%mul3A_4, %dma_start3A_1161] : memref<128x128xi32, #tpu.memory_space<hbm>> -> memref<4x128xi32, #tpu.memory_space<hbm>>
      %dma_start3A_1163 = arith.constant 0 : i32
      %dma_start3A_1164 = tpu.memref_slice %arg6[%mul3A_4, %dma_start3A_1163] : memref<128x128xi32, #tpu.memory_space<hbm>> -> memref<4x128xi32, #tpu.memory_space<hbm>>
      tpu.enqueue_dma source(%dma_start3A_1164 : memref<4x128xi32, #tpu.memory_space<hbm>>) target(%arg12 : memref<4x128xi32, #tpu.memory_space<vmem>>) target_semaphore(%run_scoped3A : memref<!tpu.dma_semaphore, #tpu.memory_space<semaphore_mem>>)
      %dma_wait3A_1165 = arith.constant 0 : i32
      %dma_wait3A_1166 = tpu.memref_slice %arg6[%mul3A_4, %dma_wait3A_1165] : memref<128x128xi32, #tpu.memory_space<hbm>> -> memref<4x128xi32, #tpu.memory_space<hbm>>
      %dma_wait3A_1167 = arith.constant 0 : i32
      %dma_wait3A_1168 = tpu.memref_slice %arg6[%mul3A_4, %dma_wait3A_1167] : memref<128x128xi32, #tpu.memory_space<hbm>> -> memref<4x128xi32, #tpu.memory_space<hbm>>
      tpu.wait_dma2 semaphore(%run_scoped3A : memref<!tpu.dma_semaphore, #tpu.memory_space<semaphore_mem>>) src(%dma_wait3A_1168 : memref<4x128xi32, #tpu.memory_space<hbm>>) dst(%arg12 : memref<4x128xi32, #tpu.memory_space<vmem>>)
      tpu.yield
    }) : () -> ()
    %get3A = arith.constant 0 : i32
    %get3A_5 = arith.index_cast %get3A : i32 to index
    %get3A_6 = arith.constant 0 : index
    %get3A_7 = tpu.vector_load %arg11[%get3A_5, %get3A_6] {strides = array<i32>} : memref<4x128xi32, #tpu.memory_space<vmem>>, vector<16xi32>,
    %get3A_8 = arith.constant 0 : i32
    %get3A_9 = arith.index_cast %get3A_8 : i32 to index
    %get3A_10 = arith.constant 0 : index
    %get3A_11 = tpu.vector_load %arg12[%get3A_9, %get3A_10] {strides = array<i32>} : memref<4x128xi32, #tpu.memory_space<vmem>>, vector<16xi32>,
    %mul3A_12 = arith.constant 128 : i32
    %mul3A_13 = vector.broadcast %mul3A_12 : i32 to vector<16xi32>
    %mul3A_14 = arith.muli %get3A_7, %mul3A_13 : vector<16xi32>
    %add3A_15 = arith.addi %mul3A_14, %get3A_11 : vector<16xi32>
    %swap3A = arith.constant 0 : i32
    %swap3A_16 = arith.index_cast %swap3A : i32 to index
    %swap3A_17 = arith.constant 0 : index
    %swap3A_18 = tpu.vector_load %arg13[%swap3A_16, %swap3A_17] {strides = array<i32>} : memref<4x128xi32, #tpu.memory_space<vmem>>, vector<16xi32>,
    tpu.vector_store %arg13[%swap3A_16, %swap3A_17], %add3A_15 {strides = array<i32>} : memref<4x128xi32, #tpu.memory_space<vmem>>, vector<16xi32>,
    %get3A_19 = arith.constant 0 : i32
    %get3A_20 = arith.index_cast %get3A_19 : i32 to index
    %get3A_21 = arith.constant 16 : index
    %get3A_22 = tpu.vector_load %arg11[%get3A_20, %get3A_21] {strides = array<i32>} : memref<4x128xi32, #tpu.memory_space<vmem>>, vector<16xi32>,
    %get3A_23 = arith.constant 0 : i32
    %get3A_24 = arith.index_cast %get3A_23 : i32 to index
    %get3A_25 = arith.constant 16 : index
    %get3A_26 = tpu.vector_load %arg12[%get3A_24, %get3A_25] {strides = array<i32>} : memref<4x128xi32, #tpu.memory_space<vmem>>, vector<16xi32>,
    %mul3A_27 = arith.constant 128 : i32
    %mul3A_28 = vector.broadcast %mul3A_27 : i32 to vector<16xi32>
    %mul3A_29 = arith.muli %get3A_22, %mul3A_28 : vector<16xi32>
    %add3A_30 = arith.addi %mul3A_29, %get3A_26 : vector<16xi32>
    %swap3A_31 = arith.constant 0 : i32
    %swap3A_32 = arith.index_cast %swap3A_31 : i32 to index
    %swap3A_33 = arith.constant 16 : index
    %swap3A_34 = tpu.vector_load %arg13[%swap3A_32, %swap3A_33] {strides = array<i32>} : memref<4x128xi32, #tpu.memory_space<vmem>>, vector<16xi32>,
    tpu.vector_store %arg13[%swap3A_32, %swap3A_33], %add3A_30 {strides = array<i32>} : memref<4x128xi32, #tpu.memory_space<vmem>>, vector<16xi32>,
    %get3A_35 = arith.constant 0 : i32
    %get3A_36 = arith.index_cast %get3A_35 : i32 to index
    %get3A_37 = arith.constant 32 : index
    %get3A_38 = tpu.vector_load %arg11[%get3A_36, %get3A_37] {strides = array<i32>} : memref<4x128xi32, #tpu.memory_space<vmem>>, vector<16xi32>,
    %get3A_39 = arith.constant 0 : i32
    %get3A_40 = arith.index_cast %get3A_39 : i32 to index
    %get3A_41 = arith.constant 32 : index
    %get3A_42 = tpu.vector_load %arg12[%get3A_40, %get3A_41] {strides = array<i32>} : memref<4x128xi32, #tpu.memory_space<vmem>>, vector<16xi32>,
    %mul3A_43 = arith.constant 128 : i32
    %mul3A_44 = vector.broadcast %mul3A_43 : i32 to vector<16xi32>
    %mul3A_45 = arith.muli %get3A_38, %mul3A_44 : vector<16xi32>
    %add3A_46 = arith.addi %mul3A_45, %get3A_42 : vector<16xi32>
    %swap3A_47 = arith.constant 0 : i32
    %swap3A_48 = arith.index_cast %swap3A_47 : i32 to index
    %swap3A_49 = arith.constant 32 : index
    %swap3A_50 = tpu.vector_load %arg13[%swap3A_48, %swap3A_49] {strides = array<i32>} : memref<4x128xi32, #tpu.memory_space<vmem>>, vector<16xi32>,
    tpu.vector_store %arg13[%swap3A_48, %swap3A_49], %add3A_46 {strides = array<i32>} : memref<4x128xi32, #tpu.memory_space<vmem>>, vector<16xi32>,
    %get3A_51 = arith.constant 0 : i32
    %get3A_52 = arith.index_cast %get3A_51 : i32 to index
    %get3A_53 = arith.constant 48 : index
    %get3A_54 = tpu.vector_load %arg11[%get3A_52, %get3A_53] {strides = array<i32>} : memref<4x128xi32, #tpu.memory_space<vmem>>, vector<16xi32>,
    %get3A_55 = arith.constant 0 : i32
    %get3A_56 = arith.index_cast %get3A_55 : i32 to index
    %get3A_57 = arith.constant 48 : index
    %get3A_58 = tpu.vector_load %arg12[%get3A_56, %get3A_57] {strides = array<i32>} : memref<4x128xi32, #tpu.memory_space<vmem>>, vector<16xi32>,
    %mul3A_59 = arith.constant 128 : i32
    %mul3A_60 = vector.broadcast %mul3A_59 : i32 to vector<16xi32>
    %mul3A_61 = arith.muli %get3A_54, %mul3A_60 : vector<16xi32>
    %add3A_62 = arith.addi %mul3A_61, %get3A_58 : vector<16xi32>
    %swap3A_63 = arith.constant 0 : i32
    %swap3A_64 = arith.index_cast %swap3A_63 : i32 to index
    %swap3A_65 = arith.constant 48 : index
    %swap3A_66 = tpu.vector_load %arg13[%swap3A_64, %swap3A_65] {strides = array<i32>} : memref<4x128xi32, #tpu.memory_space<vmem>>, vector<16xi32>,
    tpu.vector_store %arg13[%swap3A_64, %swap3A_65], %add3A_62 {strides = array<i32>} : memref<4x128xi32, #tpu.memory_space<vmem>>, vector<16xi32>,
    %get3A_67 = arith.constant 0 : i32
    %get3A_68 = arith.index_cast %get3A_67 : i32 to index
    %get3A_69 = arith.constant 64 : index
    %get3A_70 = tpu.vector_load %arg11[%get3A_68, %get3A_69] {strides = array<i32>} : memref<4x128xi32, #tpu.memory_space<vmem>>, vector<16xi32>,
    %get3A_71 = arith.constant 0 : i32
    %get3A_72 = arith.index_cast %get3A_71 : i32 to index
    %get3A_73 = arith.constant 64 : index
    %get3A_74 = tpu.vector_load %arg12[%get3A_72, %get3A_73] {strides = array<i32>} : memref<4x128xi32, #tpu.memory_space<vmem>>, vector<16xi32>,
    %mul3A_75 = arith.constant 128 : i32
    %mul3A_76 = vector.broadcast %mul3A_75 : i32 to vector<16xi32>
    %mul3A_77 = arith.muli %get3A_70, %mul3A_76 : vector<16xi32>
    %add3A_78 = arith.addi %mul3A_77, %get3A_74 : vector<16xi32>
    %swap3A_79 = arith.constant 0 : i32
    %swap3A_80 = arith.index_cast %swap3A_79 : i32 to index
    %swap3A_81 = arith.constant 64 : index
    %swap3A_82 = tpu.vector_load %arg13[%swap3A_80, %swap3A_81] {strides = array<i32>} : memref<4x128xi32, #tpu.memory_space<vmem>>, vector<16xi32>,
    tpu.vector_store %arg13[%swap3A_80, %swap3A_81], %add3A_78 {strides = array<i32>} : memref<4x128xi32, #tpu.memory_space<vmem>>, vector<16xi32>,
    %get3A_83 = arith.constant 0 : i32
    %get3A_84 = arith.index_cast %get3A_83 : i32 to index
    %get3A_85 = arith.constant 80 : index
    %get3A_86 = tpu.vector_load %arg11[%get3A_84, %get3A_85] {strides = array<i32>} : memref<4x128xi32, #tpu.memory_space<vmem>>, vector<16xi32>,
    %get3A_87 = arith.constant 0 : i32
    %get3A_88 = arith.index_cast %get3A_87 : i32 to index
    %get3A_89 = arith.constant 80 : index
    %get3A_90 = tpu.vector_load %arg12[%get3A_88, %get3A_89] {strides = array<i32>} : memref<4x128xi32, #tpu.memory_space<vmem>>, vector<16xi32>,
    %mul3A_91 = arith.constant 128 : i32
    %mul3A_92 = vector.broadcast %mul3A_91 : i32 to vector<16xi32>
    %mul3A_93 = arith.muli %get3A_86, %mul3A_92 : vector<16xi32>
    %add3A_94 = arith.addi %mul3A_93, %get3A_90 : vector<16xi32>
    %swap3A_95 = arith.constant 0 : i32
    %swap3A_96 = arith.index_cast %swap3A_95 : i32 to index
    %swap3A_97 = arith.constant 80 : index
    %swap3A_98 = tpu.vector_load %arg13[%swap3A_96, %swap3A_97] {strides = array<i32>} : memref<4x128xi32, #tpu.memory_space<vmem>>, vector<16xi32>,
    tpu.vector_store %arg13[%swap3A_96, %swap3A_97], %add3A_94 {strides = array<i32>} : memref<4x128xi32, #tpu.memory_space<vmem>>, vector<16xi32>,
    %get3A_99 = arith.constant 0 : i32
    %get3A_100 = arith.index_cast %get3A_99 : i32 to index
    %get3A_101 = arith.constant 96 : index
    %get3A_102 = tpu.vector_load %arg11[%get3A_100, %get3A_101] {strides = array<i32>} : memref<4x128xi32, #tpu.memory_space<vmem>>, vector<16xi32>,
    %get3A_103 = arith.constant 0 : i32
    %get3A_104 = arith.index_cast %get3A_103 : i32 to index
    %get3A_105 = arith.constant 96 : index
    %get3A_106 = tpu.vector_load %arg12[%get3A_104, %get3A_105] {strides = array<i32>} : memref<4x128xi32, #tpu.memory_space<vmem>>, vector<16xi32>,
    %mul3A_107 = arith.constant 128 : i32
    %mul3A_108 = vector.broadcast %mul3A_107 : i32 to vector<16xi32>
    %mul3A_109 = arith.muli %get3A_102, %mul3A_108 : vector<16xi32>
    %add3A_110 = arith.addi %mul3A_109, %get3A_106 : vector<16xi32>
    %swap3A_111 = arith.constant 0 : i32
    %swap3A_112 = arith.index_cast %swap3A_111 : i32 to index
    %swap3A_113 = arith.constant 96 : index
    %swap3A_114 = tpu.vector_load %arg13[%swap3A_112, %swap3A_113] {strides = array<i32>} : memref<4x128xi32, #tpu.memory_space<vmem>>, vector<16xi32>,
    tpu.vector_store %arg13[%swap3A_112, %swap3A_113], %add3A_110 {strides = array<i32>} : memref<4x128xi32, #tpu.memory_space<vmem>>, vector<16xi32>,
    %get3A_115 = arith.constant 0 : i32
    %get3A_116 = arith.index_cast %get3A_115 : i32 to index
    %get3A_117 = arith.constant 112 : index
    %get3A_118 = tpu.vector_load %arg11[%get3A_116, %get3A_117] {strides = array<i32>} : memref<4x128xi32, #tpu.memory_space<vmem>>, vector<16xi32>,
    %get3A_119 = arith.constant 0 : i32
    %get3A_120 = arith.index_cast %get3A_119 : i32 to index
    %get3A_121 = arith.constant 112 : index
    %get3A_122 = tpu.vector_load %arg12[%get3A_120, %get3A_121] {strides = array<i32>} : memref<4x128xi32, #tpu.memory_space<vmem>>, vector<16xi32>,
    %mul3A_123 = arith.constant 128 : i32
    %mul3A_124 = vector.broadcast %mul3A_123 : i32 to vector<16xi32>
    %mul3A_125 = arith.muli %get3A_118, %mul3A_124 : vector<16xi32>
    %add3A_126 = arith.addi %mul3A_125, %get3A_122 : vector<16xi32>
    %swap3A_127 = arith.constant 0 : i32
    %swap3A_128 = arith.index_cast %swap3A_127 : i32 to index
    %swap3A_129 = arith.constant 112 : index
    %swap3A_130 = tpu.vector_load %arg13[%swap3A_128, %swap3A_129] {strides = array<i32>} : memref<4x128xi32, #tpu.memory_space<vmem>>, vector<16xi32>,
    tpu.vector_store %arg13[%swap3A_128, %swap3A_129], %add3A_126 {strides = array<i32>} : memref<4x128xi32, #tpu.memory_space<vmem>>, vector<16xi32>,
    %get3A_131 = arith.constant 1 : i32
    %get3A_132 = arith.index_cast %get3A_131 : i32 to index
    %get3A_133 = arith.constant 0 : index
    %get3A_134 = tpu.vector_load %arg11[%get3A_132, %get3A_133] {strides = array<i32>} : memref<4x128xi32, #tpu.memory_space<vmem>>, vector<16xi32>,
    %get3A_135 = arith.constant 1 : i32
    %get3A_136 = arith.index_cast %get3A_135 : i32 to index
    %get3A_137 = arith.constant 0 : index
    %get3A_138 = tpu.vector_load %arg12[%get3A_136, %get3A_137] {strides = array<i32>} : memref<4x128xi32, #tpu.memory_space<vmem>>, vector<16xi32>,
    %mul3A_139 = arith.constant 128 : i32
    %mul3A_140 = vector.broadcast %mul3A_139 : i32 to vector<16xi32>
    %mul3A_141 = arith.muli %get3A_134, %mul3A_140 : vector<16xi32>
    %add3A_142 = arith.addi %mul3A_141, %get3A_138 : vector<16xi32>
    %swap3A_143 = arith.constant 1 : i32
    %swap3A_144 = arith.index_cast %swap3A_143 : i32 to index
    %swap3A_145 = arith.constant 0 : index
    %swap3A_146 = tpu.vector_load %arg13[%swap3A_144, %swap3A_145] {strides = array<i32>} : memref<4x128xi32, #tpu.memory_space<vmem>>, vector<16xi32>,
    tpu.vector_store %arg13[%swap3A_144, %swap3A_145], %add3A_142 {strides = array<i32>} : memref<4x128xi32, #tpu.memory_space<vmem>>, vector<16xi32>,
    %get3A_147 = arith.constant 1 : i32
    %get3A_148 = arith.index_cast %get3A_147 : i32 to index
    %get3A_149 = arith.constant 16 : index
    %get3A_150 = tpu.vector_load %arg11[%get3A_148, %get3A_149] {strides = array<i32>} : memref<4x128xi32, #tpu.memory_space<vmem>>, vector<16xi32>,
    %get3A_151 = arith.constant 1 : i32
    %get3A_152 = arith.index_cast %get3A_151 : i32 to index
    %get3A_153 = arith.constant 16 : index
    %get3A_154 = tpu.vector_load %arg12[%get3A_152, %get3A_153] {strides = array<i32>} : memref<4x128xi32, #tpu.memory_space<vmem>>, vector<16xi32>,
    %mul3A_155 = arith.constant 128 : i32
    %mul3A_156 = vector.broadcast %mul3A_155 : i32 to vector<16xi32>
    %mul3A_157 = arith.muli %get3A_150, %mul3A_156 : vector<16xi32>
    %add3A_158 = arith.addi %mul3A_157, %get3A_154 : vector<16xi32>
    %swap3A_159 = arith.constant 1 : i32
    %swap3A_160 = arith.index_cast %swap3A_159 : i32 to index
    %swap3A_161 = arith.constant 16 : index
    %swap3A_162 = tpu.vector_load %arg13[%swap3A_160, %swap3A_161] {strides = array<i32>} : memref<4x128xi32, #tpu.memory_space<vmem>>, vector<16xi32>,
    tpu.vector_store %arg13[%swap3A_160, %swap3A_161], %add3A_158 {strides = array<i32>} : memref<4x128xi32, #tpu.memory_space<vmem>>, vector<16xi32>,
    %get3A_163 = arith.constant 1 : i32
    %get3A_164 = arith.index_cast %get3A_163 : i32 to index
    %get3A_165 = arith.constant 32 : index
    %get3A_166 = tpu.vector_load %arg11[%get3A_164, %get3A_165] {strides = array<i32>} : memref<4x128xi32, #tpu.memory_space<vmem>>, vector<16xi32>,
    %get3A_167 = arith.constant 1 : i32
    %get3A_168 = arith.index_cast %get3A_167 : i32 to index
    %get3A_169 = arith.constant 32 : index
    %get3A_170 = tpu.vector_load %arg12[%get3A_168, %get3A_169] {strides = array<i32>} : memref<4x128xi32, #tpu.memory_space<vmem>>, vector<16xi32>,
    %mul3A_171 = arith.constant 128 : i32
    %mul3A_172 = vector.broadcast %mul3A_171 : i32 to vector<16xi32>
    %mul3A_173 = arith.muli %get3A_166, %mul3A_172 : vector<16xi32>
    %add3A_174 = arith.addi %mul3A_173, %get3A_170 : vector<16xi32>
    %swap3A_175 = arith.constant 1 : i32
    %swap3A_176 = arith.index_cast %swap3A_175 : i32 to index
    %swap3A_177 = arith.constant 32 : index
    %swap3A_178 = tpu.vector_load %arg13[%swap3A_176, %swap3A_177] {strides = array<i32>} : memref<4x128xi32, #tpu.memory_space<vmem>>, vector<16xi32>,
    tpu.vector_store %arg13[%swap3A_176, %swap3A_177], %add3A_174 {strides = array<i32>} : memref<4x128xi32, #tpu.memory_space<vmem>>, vector<16xi32>,
    %get3A_179 = arith.constant 1 : i32
    %get3A_180 = arith.index_cast %get3A_179 : i32 to index
    %get3A_181 = arith.constant 48 : index
    %get3A_182 = tpu.vector_load %arg11[%get3A_180, %get3A_181] {strides = array<i32>} : memref<4x128xi32, #tpu.memory_space<vmem>>, vector<16xi32>,
    %get3A_183 = arith.constant 1 : i32
    %get3A_184 = arith.index_cast %get3A_183 : i32 to index
    %get3A_185 = arith.constant 48 : index
    %get3A_186 = tpu.vector_load %arg12[%get3A_184, %get3A_185] {strides = array<i32>} : memref<4x128xi32, #tpu.memory_space<vmem>>, vector<16xi32>,
    %mul3A_187 = arith.constant 128 : i32
    %mul3A_188 = vector.broadcast %mul3A_187 : i32 to vector<16xi32>
    %mul3A_189 = arith.muli %get3A_182, %mul3A_188 : vector<16xi32>
    %add3A_190 = arith.addi %mul3A_189, %get3A_186 : vector<16xi32>
    %swap3A_191 = arith.constant 1 : i32
    %swap3A_192 = arith.index_cast %swap3A_191 : i32 to index
    %swap3A_193 = arith.constant 48 : index
    %swap3A_194 = tpu.vector_load %arg13[%swap3A_192, %swap3A_193] {strides = array<i32>} : memref<4x128xi32, #tpu.memory_space<vmem>>, vector<16xi32>,
    tpu.vector_store %arg13[%swap3A_192, %swap3A_193], %add3A_190 {strides = array<i32>} : memref<4x128xi32, #tpu.memory_space<vmem>>, vector<16xi32>,
    %get3A_195 = arith.constant 1 : i32
    %get3A_196 = arith.index_cast %get3A_195 : i32 to index
    %get3A_197 = arith.constant 64 : index
    %get3A_198 = tpu.vector_load %arg11[%get3A_196, %get3A_197] {strides = array<i32>} : memref<4x128xi32, #tpu.memory_space<vmem>>, vector<16xi32>,
    %get3A_199 = arith.constant 1 : i32
    %get3A_200 = arith.index_cast %get3A_199 : i32 to index
    %get3A_201 = arith.constant 64 : index
    %get3A_202 = tpu.vector_load %arg12[%get3A_200, %get3A_201] {strides = array<i32>} : memref<4x128xi32, #tpu.memory_space<vmem>>, vector<16xi32>,
    %mul3A_203 = arith.constant 128 : i32
    %mul3A_204 = vector.broadcast %mul3A_203 : i32 to vector<16xi32>
    %mul3A_205 = arith.muli %get3A_198, %mul3A_204 : vector<16xi32>
    %add3A_206 = arith.addi %mul3A_205, %get3A_202 : vector<16xi32>
    %swap3A_207 = arith.constant 1 : i32
    %swap3A_208 = arith.index_cast %swap3A_207 : i32 to index
    %swap3A_209 = arith.constant 64 : index
    %swap3A_210 = tpu.vector_load %arg13[%swap3A_208, %swap3A_209] {strides = array<i32>} : memref<4x128xi32, #tpu.memory_space<vmem>>, vector<16xi32>,
    tpu.vector_store %arg13[%swap3A_208, %swap3A_209], %add3A_206 {strides = array<i32>} : memref<4x128xi32, #tpu.memory_space<vmem>>, vector<16xi32>,
    %get3A_211 = arith.constant 1 : i32
    %get3A_212 = arith.index_cast %get3A_211 : i32 to index
    %get3A_213 = arith.constant 80 : index
    %get3A_214 = tpu.vector_load %arg11[%get3A_212, %get3A_213] {strides = array<i32>} : memref<4x128xi32, #tpu.memory_space<vmem>>, vector<16xi32>,
    %get3A_215 = arith.constant 1 : i32
    %get3A_216 = arith.index_cast %get3A_215 : i32 to index
    %get3A_217 = arith.constant 80 : index
    %get3A_218 = tpu.vector_load %arg12[%get3A_216, %get3A_217] {strides = array<i32>} : memref<4x128xi32, #tpu.memory_space<vmem>>, vector<16xi32>,
    %mul3A_219 = arith.constant 128 : i32
    %mul3A_220 = vector.broadcast %mul3A_219 : i32 to vector<16xi32>
    %mul3A_221 = arith.muli %get3A_214, %mul3A_220 : vector<16xi32>
    %add3A_222 = arith.addi %mul3A_221, %get3A_218 : vector<16xi32>
    %swap3A_223 = arith.constant 1 : i32
    %swap3A_224 = arith.index_cast %swap3A_223 : i32 to index
    %swap3A_225 = arith.constant 80 : index
    %swap3A_226 = tpu.vector_load %arg13[%swap3A_224, %swap3A_225] {strides = array<i32>} : memref<4x128xi32, #tpu.memory_space<vmem>>, vector<16xi32>,
    tpu.vector_store %arg13[%swap3A_224, %swap3A_225], %add3A_222 {strides = array<i32>} : memref<4x128xi32, #tpu.memory_space<vmem>>, vector<16xi32>,
    %get3A_227 = arith.constant 1 : i32
    %get3A_228 = arith.index_cast %get3A_227 : i32 to index
    %get3A_229 = arith.constant 96 : index
    %get3A_230 = tpu.vector_load %arg11[%get3A_228, %get3A_229] {strides = array<i32>} : memref<4x128xi32, #tpu.memory_space<vmem>>, vector<16xi32>,
    %get3A_231 = arith.constant 1 : i32
    %get3A_232 = arith.index_cast %get3A_231 : i32 to index
    %get3A_233 = arith.constant 96 : index
    %get3A_234 = tpu.vector_load %arg12[%get3A_232, %get3A_233] {strides = array<i32>} : memref<4x128xi32, #tpu.memory_space<vmem>>, vector<16xi32>,
    %mul3A_235 = arith.constant 128 : i32
    %mul3A_236 = vector.broadcast %mul3A_235 : i32 to vector<16xi32>
    %mul3A_237 = arith.muli %get3A_230, %mul3A_236 : vector<16xi32>
    %add3A_238 = arith.addi %mul3A_237, %get3A_234 : vector<16xi32>
    %swap3A_239 = arith.constant 1 : i32
    %swap3A_240 = arith.index_cast %swap3A_239 : i32 to index
    %swap3A_241 = arith.constant 96 : index
    %swap3A_242 = tpu.vector_load %arg13[%swap3A_240, %swap3A_241] {strides = array<i32>} : memref<4x128xi32, #tpu.memory_space<vmem>>, vector<16xi32>,
    tpu.vector_store %arg13[%swap3A_240, %swap3A_241], %add3A_238 {strides = array<i32>} : memref<4x128xi32, #tpu.memory_space<vmem>>, vector<16xi32>,
    %get3A_243 = arith.constant 1 : i32
    %get3A_244 = arith.index_cast %get3A_243 : i32 to index
    %get3A_245 = arith.constant 112 : index
    %get3A_246 = tpu.vector_load %arg11[%get3A_244, %get3A_245] {strides = array<i32>} : memref<4x128xi32, #tpu.memory_space<vmem>>, vector<16xi32>,
    %get3A_247 = arith.constant 1 : i32
    %get3A_248 = arith.index_cast %get3A_247 : i32 to index
    %get3A_249 = arith.constant 112 : index
    %get3A_250 = tpu.vector_load %arg12[%get3A_248, %get3A_249] {strides = array<i32>} : memref<4x128xi32, #tpu.memory_space<vmem>>, vector<16xi32>,
    %mul3A_251 = arith.constant 128 : i32
    %mul3A_252 = vector.broadcast %mul3A_251 : i32 to vector<16xi32>
    %mul3A_253 = arith.muli %get3A_246, %mul3A_252 : vector<16xi32>
    %add3A_254 = arith.addi %mul3A_253, %get3A_250 : vector<16xi32>
    %swap3A_255 = arith.constant 1 : i32
    %swap3A_256 = arith.index_cast %swap3A_255 : i32 to index
    %swap3A_257 = arith.constant 112 : index
    %swap3A_258 = tpu.vector_load %arg13[%swap3A_256, %swap3A_257] {strides = array<i32>} : memref<4x128xi32, #tpu.memory_space<vmem>>, vector<16xi32>,
    tpu.vector_store %arg13[%swap3A_256, %swap3A_257], %add3A_254 {strides = array<i32>} : memref<4x128xi32, #tpu.memory_space<vmem>>, vector<16xi32>,
    %get3A_259 = arith.constant 2 : i32
    %get3A_260 = arith.index_cast %get3A_259 : i32 to index
    %get3A_261 = arith.constant 0 : index
    %get3A_262 = tpu.vector_load %arg11[%get3A_260, %get3A_261] {strides = array<i32>} : memref<4x128xi32, #tpu.memory_space<vmem>>, vector<16xi32>,
    %get3A_263 = arith.constant 2 : i32
    %get3A_264 = arith.index_cast %get3A_263 : i32 to index
    %get3A_265 = arith.constant 0 : index
    %get3A_266 = tpu.vector_load %arg12[%get3A_264, %get3A_265] {strides = array<i32>} : memref<4x128xi32, #tpu.memory_space<vmem>>, vector<16xi32>,
    %mul3A_267 = arith.constant 128 : i32
    %mul3A_268 = vector.broadcast %mul3A_267 : i32 to vector<16xi32>
    %mul3A_269 = arith.muli %get3A_262, %mul3A_268 : vector<16xi32>
    %add3A_270 = arith.addi %mul3A_269, %get3A_266 : vector<16xi32>
    %swap3A_271 = arith.constant 2 : i32
    %swap3A_272 = arith.index_cast %swap3A_271 : i32 to index
    %swap3A_273 = arith.constant 0 : index
    %swap3A_274 = tpu.vector_load %arg13[%swap3A_272, %swap3A_273] {strides = array<i32>} : memref<4x128xi32, #tpu.memory_space<vmem>>, vector<16xi32>,
    tpu.vector_store %arg13[%swap3A_272, %swap3A_273], %add3A_270 {strides = array<i32>} : memref<4x128xi32, #tpu.memory_space<vmem>>, vector<16xi32>,
    %get3A_275 = arith.constant 2 : i32
    %get3A_276 = arith.index_cast %get3A_275 : i32 to index
    %get3A_277 = arith.constant 16 : index
    %get3A_278 = tpu.vector_load %arg11[%get3A_276, %get3A_277] {strides = array<i32>} : memref<4x128xi32, #tpu.memory_space<vmem>>, vector<16xi32>,
    %get3A_279 = arith.constant 2 : i32
    %get3A_280 = arith.index_cast %get3A_279 : i32 to index
    %get3A_281 = arith.constant 16 : index
    %get3A_282 = tpu.vector_load %arg12[%get3A_280, %get3A_281] {strides = array<i32>} : memref<4x128xi32, #tpu.memory_space<vmem>>, vector<16xi32>,
    %mul3A_283 = arith.constant 128 : i32
    %mul3A_284 = vector.broadcast %mul3A_283 : i32 to vector<16xi32>
    %mul3A_285 = arith.muli %get3A_278, %mul3A_284 : vector<16xi32>
    %add3A_286 = arith.addi %mul3A_285, %get3A_282 : vector<16xi32>
    %swap3A_287 = arith.constant 2 : i32
    %swap3A_288 = arith.index_cast %swap3A_287 : i32 to index
    %swap3A_289 = arith.constant 16 : index
    %swap3A_290 = tpu.vector_load %arg13[%swap3A_288, %swap3A_289] {strides = array<i32>} : memref<4x128xi32, #tpu.memory_space<vmem>>, vector<16xi32>,
    tpu.vector_store %arg13[%swap3A_288, %swap3A_289], %add3A_286 {strides = array<i32>} : memref<4x128xi32, #tpu.memory_space<vmem>>, vector<16xi32>,
    %get3A_291 = arith.constant 2 : i32
    %get3A_292 = arith.index_cast %get3A_291 : i32 to index
    %get3A_293 = arith.constant 32 : index
    %get3A_294 = tpu.vector_load %arg11[%get3A_292, %get3A_293] {strides = array<i32>} : memref<4x128xi32, #tpu.memory_space<vmem>>, vector<16xi32>,
    %get3A_295 = arith.constant 2 : i32
    %get3A_296 = arith.index_cast %get3A_295 : i32 to index
    %get3A_297 = arith.constant 32 : index
    %get3A_298 = tpu.vector_load %arg12[%get3A_296, %get3A_297] {strides = array<i32>} : memref<4x128xi32, #tpu.memory_space<vmem>>, vector<16xi32>,
    %mul3A_299 = arith.constant 128 : i32
    %mul3A_300 = vector.broadcast %mul3A_299 : i32 to vector<16xi32>
    %mul3A_301 = arith.muli %get3A_294, %mul3A_300 : vector<16xi32>
    %add3A_302 = arith.addi %mul3A_301, %get3A_298 : vector<16xi32>
    %swap3A_303 = arith.constant 2 : i32
    %swap3A_304 = arith.index_cast %swap3A_303 : i32 to index
    %swap3A_305 = arith.constant 32 : index
    %swap3A_306 = tpu.vector_load %arg13[%swap3A_304, %swap3A_305] {strides = array<i32>} : memref<4x128xi32, #tpu.memory_space<vmem>>, vector<16xi32>,
    tpu.vector_store %arg13[%swap3A_304, %swap3A_305], %add3A_302 {strides = array<i32>} : memref<4x128xi32, #tpu.memory_space<vmem>>, vector<16xi32>,
    %get3A_307 = arith.constant 2 : i32
    %get3A_308 = arith.index_cast %get3A_307 : i32 to index
    %get3A_309 = arith.constant 48 : index
    %get3A_310 = tpu.vector_load %arg11[%get3A_308, %get3A_309] {strides = array<i32>} : memref<4x128xi32, #tpu.memory_space<vmem>>, vector<16xi32>,
    %get3A_311 = arith.constant 2 : i32
    %get3A_312 = arith.index_cast %get3A_311 : i32 to index
    %get3A_313 = arith.constant 48 : index
    %get3A_314 = tpu.vector_load %arg12[%get3A_312, %get3A_313] {strides = array<i32>} : memref<4x128xi32, #tpu.memory_space<vmem>>, vector<16xi32>,
    %mul3A_315 = arith.constant 128 : i32
    %mul3A_316 = vector.broadcast %mul3A_315 : i32 to vector<16xi32>
    %mul3A_317 = arith.muli %get3A_310, %mul3A_316 : vector<16xi32>
    %add3A_318 = arith.addi %mul3A_317, %get3A_314 : vector<16xi32>
    %swap3A_319 = arith.constant 2 : i32
    %swap3A_320 = arith.index_cast %swap3A_319 : i32 to index
    %swap3A_321 = arith.constant 48 : index
    %swap3A_322 = tpu.vector_load %arg13[%swap3A_320, %swap3A_321] {strides = array<i32>} : memref<4x128xi32, #tpu.memory_space<vmem>>, vector<16xi32>,
    tpu.vector_store %arg13[%swap3A_320, %swap3A_321], %add3A_318 {strides = array<i32>} : memref<4x128xi32, #tpu.memory_space<vmem>>, vector<16xi32>,
    %get3A_323 = arith.constant 2 : i32
    %get3A_324 = arith.index_cast %get3A_323 : i32 to index
    %get3A_325 = arith.constant 64 : index
    %get3A_326 = tpu.vector_load %arg11[%get3A_324, %get3A_325] {strides = array<i32>} : memref<4x128xi32, #tpu.memory_space<vmem>>, vector<16xi32>,
    %get3A_327 = arith.constant 2 : i32
    %get3A_328 = arith.index_cast %get3A_327 : i32 to index
    %get3A_329 = arith.constant 64 : index
    %get3A_330 = tpu.vector_load %arg12[%get3A_328, %get3A_329] {strides = array<i32>} : memref<4x128xi32, #tpu.memory_space<vmem>>, vector<16xi32>,
    %mul3A_331 = arith.constant 128 : i32
    %mul3A_332 = vector.broadcast %mul3A_331 : i32 to vector<16xi32>
    %mul3A_333 = arith.muli %get3A_326, %mul3A_332 : vector<16xi32>
    %add3A_334 = arith.addi %mul3A_333, %get3A_330 : vector<16xi32>
    %swap3A_335 = arith.constant 2 : i32
    %swap3A_336 = arith.index_cast %swap3A_335 : i32 to index
    %swap3A_337 = arith.constant 64 : index
    %swap3A_338 = tpu.vector_load %arg13[%swap3A_336, %swap3A_337] {strides = array<i32>} : memref<4x128xi32, #tpu.memory_space<vmem>>, vector<16xi32>,
    tpu.vector_store %arg13[%swap3A_336, %swap3A_337], %add3A_334 {strides = array<i32>} : memref<4x128xi32, #tpu.memory_space<vmem>>, vector<16xi32>,
    %get3A_339 = arith.constant 2 : i32
    %get3A_340 = arith.index_cast %get3A_339 : i32 to index
    %get3A_341 = arith.constant 80 : index
    %get3A_342 = tpu.vector_load %arg11[%get3A_340, %get3A_341] {strides = array<i32>} : memref<4x128xi32, #tpu.memory_space<vmem>>, vector<16xi32>,
    %get3A_343 = arith.constant 2 : i32
    %get3A_344 = arith.index_cast %get3A_343 : i32 to index
    %get3A_345 = arith.constant 80 : index
    %get3A_346 = tpu.vector_load %arg12[%get3A_344, %get3A_345] {strides = array<i32>} : memref<4x128xi32, #tpu.memory_space<vmem>>, vector<16xi32>,
    %mul3A_347 = arith.constant 128 : i32
    %mul3A_348 = vector.broadcast %mul3A_347 : i32 to vector<16xi32>
    %mul3A_349 = arith.muli %get3A_342, %mul3A_348 : vector<16xi32>
    %add3A_350 = arith.addi %mul3A_349, %get3A_346 : vector<16xi32>
    %swap3A_351 = arith.constant 2 : i32
    %swap3A_352 = arith.index_cast %swap3A_351 : i32 to index
    %swap3A_353 = arith.constant 80 : index
    %swap3A_354 = tpu.vector_load %arg13[%swap3A_352, %swap3A_353] {strides = array<i32>} : memref<4x128xi32, #tpu.memory_space<vmem>>, vector<16xi32>,
    tpu.vector_store %arg13[%swap3A_352, %swap3A_353], %add3A_350 {strides = array<i32>} : memref<4x128xi32, #tpu.memory_space<vmem>>, vector<16xi32>,
    %get3A_355 = arith.constant 2 : i32
    %get3A_356 = arith.index_cast %get3A_355 : i32 to index
    %get3A_357 = arith.constant 96 : index
    %get3A_358 = tpu.vector_load %arg11[%get3A_356, %get3A_357] {strides = array<i32>} : memref<4x128xi32, #tpu.memory_space<vmem>>, vector<16xi32>,
    %get3A_359 = arith.constant 2 : i32
    %get3A_360 = arith.index_cast %get3A_359 : i32 to index
    %get3A_361 = arith.constant 96 : index
    %get3A_362 = tpu.vector_load %arg12[%get3A_360, %get3A_361] {strides = array<i32>} : memref<4x128xi32, #tpu.memory_space<vmem>>, vector<16xi32>,
    %mul3A_363 = arith.constant 128 : i32
    %mul3A_364 = vector.broadcast %mul3A_363 : i32 to vector<16xi32>
    %mul3A_365 = arith.muli %get3A_358, %mul3A_364 : vector<16xi32>
    %add3A_366 = arith.addi %mul3A_365, %get3A_362 : vector<16xi32>
    %swap3A_367 = arith.constant 2 : i32
    %swap3A_368 = arith.index_cast %swap3A_367 : i32 to index
    %swap3A_369 = arith.constant 96 : index
    %swap3A_370 = tpu.vector_load %arg13[%swap3A_368, %swap3A_369] {strides = array<i32>} : memref<4x128xi32, #tpu.memory_space<vmem>>, vector<16xi32>,
    tpu.vector_store %arg13[%swap3A_368, %swap3A_369], %add3A_366 {strides = array<i32>} : memref<4x128xi32, #tpu.memory_space<vmem>>, vector<16xi32>,
    %get3A_371 = arith.constant 2 : i32
    %get3A_372 = arith.index_cast %get3A_371 : i32 to index
    %get3A_373 = arith.constant 112 : index
    %get3A_374 = tpu.vector_load %arg11[%get3A_372, %get3A_373] {strides = array<i32>} : memref<4x128xi32, #tpu.memory_space<vmem>>, vector<16xi32>,
    %get3A_375 = arith.constant 2 : i32
    %get3A_376 = arith.index_cast %get3A_375 : i32 to index
    %get3A_377 = arith.constant 112 : index
    %get3A_378 = tpu.vector_load %arg12[%get3A_376, %get3A_377] {strides = array<i32>} : memref<4x128xi32, #tpu.memory_space<vmem>>, vector<16xi32>,
    %mul3A_379 = arith.constant 128 : i32
    %mul3A_380 = vector.broadcast %mul3A_379 : i32 to vector<16xi32>
    %mul3A_381 = arith.muli %get3A_374, %mul3A_380 : vector<16xi32>
    %add3A_382 = arith.addi %mul3A_381, %get3A_378 : vector<16xi32>
    %swap3A_383 = arith.constant 2 : i32
    %swap3A_384 = arith.index_cast %swap3A_383 : i32 to index
    %swap3A_385 = arith.constant 112 : index
    %swap3A_386 = tpu.vector_load %arg13[%swap3A_384, %swap3A_385] {strides = array<i32>} : memref<4x128xi32, #tpu.memory_space<vmem>>, vector<16xi32>,
    tpu.vector_store %arg13[%swap3A_384, %swap3A_385], %add3A_382 {strides = array<i32>} : memref<4x128xi32, #tpu.memory_space<vmem>>, vector<16xi32>,
    %get3A_387 = arith.constant 3 : i32
    %get3A_388 = arith.index_cast %get3A_387 : i32 to index
    %get3A_389 = arith.constant 0 : index
    %get3A_390 = tpu.vector_load %arg11[%get3A_388, %get3A_389] {strides = array<i32>} : memref<4x128xi32, #tpu.memory_space<vmem>>, vector<16xi32>,
    %get3A_391 = arith.constant 3 : i32
    %get3A_392 = arith.index_cast %get3A_391 : i32 to index
    %get3A_393 = arith.constant 0 : index
    %get3A_394 = tpu.vector_load %arg12[%get3A_392, %get3A_393] {strides = array<i32>} : memref<4x128xi32, #tpu.memory_space<vmem>>, vector<16xi32>,
    %mul3A_395 = arith.constant 128 : i32
    %mul3A_396 = vector.broadcast %mul3A_395 : i32 to vector<16xi32>
    %mul3A_397 = arith.muli %get3A_390, %mul3A_396 : vector<16xi32>
    %add3A_398 = arith.addi %mul3A_397, %get3A_394 : vector<16xi32>
    %swap3A_399 = arith.constant 3 : i32
    %swap3A_400 = arith.index_cast %swap3A_399 : i32 to index
    %swap3A_401 = arith.constant 0 : index
    %swap3A_402 = tpu.vector_load %arg13[%swap3A_400, %swap3A_401] {strides = array<i32>} : memref<4x128xi32, #tpu.memory_space<vmem>>, vector<16xi32>,
    tpu.vector_store %arg13[%swap3A_400, %swap3A_401], %add3A_398 {strides = array<i32>} : memref<4x128xi32, #tpu.memory_space<vmem>>, vector<16xi32>,
    %get3A_403 = arith.constant 3 : i32
    %get3A_404 = arith.index_cast %get3A_403 : i32 to index
    %get3A_405 = arith.constant 16 : index
    %get3A_406 = tpu.vector_load %arg11[%get3A_404, %get3A_405] {strides = array<i32>} : memref<4x128xi32, #tpu.memory_space<vmem>>, vector<16xi32>,
    %get3A_407 = arith.constant 3 : i32
    %get3A_408 = arith.index_cast %get3A_407 : i32 to index
    %get3A_409 = arith.constant 16 : index
    %get3A_410 = tpu.vector_load %arg12[%get3A_408, %get3A_409] {strides = array<i32>} : memref<4x128xi32, #tpu.memory_space<vmem>>, vector<16xi32>,
    %mul3A_411 = arith.constant 128 : i32
    %mul3A_412 = vector.broadcast %mul3A_411 : i32 to vector<16xi32>
    %mul3A_413 = arith.muli %get3A_406, %mul3A_412 : vector<16xi32>
    %add3A_414 = arith.addi %mul3A_413, %get3A_410 : vector<16xi32>
    %swap3A_415 = arith.constant 3 : i32
    %swap3A_416 = arith.index_cast %swap3A_415 : i32 to index
    %swap3A_417 = arith.constant 16 : index
    %swap3A_418 = tpu.vector_load %arg13[%swap3A_416, %swap3A_417] {strides = array<i32>} : memref<4x128xi32, #tpu.memory_space<vmem>>, vector<16xi32>,
    tpu.vector_store %arg13[%swap3A_416, %swap3A_417], %add3A_414 {strides = array<i32>} : memref<4x128xi32, #tpu.memory_space<vmem>>, vector<16xi32>,
    %get3A_419 = arith.constant 3 : i32
    %get3A_420 = arith.index_cast %get3A_419 : i32 to index
    %get3A_421 = arith.constant 32 : index
    %get3A_422 = tpu.vector_load %arg11[%get3A_420, %get3A_421] {strides = array<i32>} : memref<4x128xi32, #tpu.memory_space<vmem>>, vector<16xi32>,
    %get3A_423 = arith.constant 3 : i32
    %get3A_424 = arith.index_cast %get3A_423 : i32 to index
    %get3A_425 = arith.constant 32 : index
    %get3A_426 = tpu.vector_load %arg12[%get3A_424, %get3A_425] {strides = array<i32>} : memref<4x128xi32, #tpu.memory_space<vmem>>, vector<16xi32>,
    %mul3A_427 = arith.constant 128 : i32
    %mul3A_428 = vector.broadcast %mul3A_427 : i32 to vector<16xi32>
    %mul3A_429 = arith.muli %get3A_422, %mul3A_428 : vector<16xi32>
    %add3A_430 = arith.addi %mul3A_429, %get3A_426 : vector<16xi32>
    %swap3A_431 = arith.constant 3 : i32
    %swap3A_432 = arith.index_cast %swap3A_431 : i32 to index
    %swap3A_433 = arith.constant 32 : index
    %swap3A_434 = tpu.vector_load %arg13[%swap3A_432, %swap3A_433] {strides = array<i32>} : memref<4x128xi32, #tpu.memory_space<vmem>>, vector<16xi32>,
    tpu.vector_store %arg13[%swap3A_432, %swap3A_433], %add3A_430 {strides = array<i32>} : memref<4x128xi32, #tpu.memory_space<vmem>>, vector<16xi32>,
    %get3A_435 = arith.constant 3 : i32
    %get3A_436 = arith.index_cast %get3A_435 : i32 to index
    %get3A_437 = arith.constant 48 : index
    %get3A_438 = tpu.vector_load %arg11[%get3A_436, %get3A_437] {strides = array<i32>} : memref<4x128xi32, #tpu.memory_space<vmem>>, vector<16xi32>,
    %get3A_439 = arith.constant 3 : i32
    %get3A_440 = arith.index_cast %get3A_439 : i32 to index
    %get3A_441 = arith.constant 48 : index
    %get3A_442 = tpu.vector_load %arg12[%get3A_440, %get3A_441] {strides = array<i32>} : memref<4x128xi32, #tpu.memory_space<vmem>>, vector<16xi32>,
    %mul3A_443 = arith.constant 128 : i32
    %mul3A_444 = vector.broadcast %mul3A_443 : i32 to vector<16xi32>
    %mul3A_445 = arith.muli %get3A_438, %mul3A_444 : vector<16xi32>
    %add3A_446 = arith.addi %mul3A_445, %get3A_442 : vector<16xi32>
    %swap3A_447 = arith.constant 3 : i32
    %swap3A_448 = arith.index_cast %swap3A_447 : i32 to index
    %swap3A_449 = arith.constant 48 : index
    %swap3A_450 = tpu.vector_load %arg13[%swap3A_448, %swap3A_449] {strides = array<i32>} : memref<4x128xi32, #tpu.memory_space<vmem>>, vector<16xi32>,
    tpu.vector_store %arg13[%swap3A_448, %swap3A_449], %add3A_446 {strides = array<i32>} : memref<4x128xi32, #tpu.memory_space<vmem>>, vector<16xi32>,
    %get3A_451 = arith.constant 3 : i32
    %get3A_452 = arith.index_cast %get3A_451 : i32 to index
    %get3A_453 = arith.constant 64 : index
    %get3A_454 = tpu.vector_load %arg11[%get3A_452, %get3A_453] {strides = array<i32>} : memref<4x128xi32, #tpu.memory_space<vmem>>, vector<16xi32>,
    %get3A_455 = arith.constant 3 : i32
    %get3A_456 = arith.index_cast %get3A_455 : i32 to index
    %get3A_457 = arith.constant 64 : index
    %get3A_458 = tpu.vector_load %arg12[%get3A_456, %get3A_457] {strides = array<i32>} : memref<4x128xi32, #tpu.memory_space<vmem>>, vector<16xi32>,
    %mul3A_459 = arith.constant 128 : i32
    %mul3A_460 = vector.broadcast %mul3A_459 : i32 to vector<16xi32>
    %mul3A_461 = arith.muli %get3A_454, %mul3A_460 : vector<16xi32>
    %add3A_462 = arith.addi %mul3A_461, %get3A_458 : vector<16xi32>
    %swap3A_463 = arith.constant 3 : i32
    %swap3A_464 = arith.index_cast %swap3A_463 : i32 to index
    %swap3A_465 = arith.constant 64 : index
    %swap3A_466 = tpu.vector_load %arg13[%swap3A_464, %swap3A_465] {strides = array<i32>} : memref<4x128xi32, #tpu.memory_space<vmem>>, vector<16xi32>,
    tpu.vector_store %arg13[%swap3A_464, %swap3A_465], %add3A_462 {strides = array<i32>} : memref<4x128xi32, #tpu.memory_space<vmem>>, vector<16xi32>,
    %get3A_467 = arith.constant 3 : i32
    %get3A_468 = arith.index_cast %get3A_467 : i32 to index
    %get3A_469 = arith.constant 80 : index
    %get3A_470 = tpu.vector_load %arg11[%get3A_468, %get3A_469] {strides = array<i32>} : memref<4x128xi32, #tpu.memory_space<vmem>>, vector<16xi32>,
    %get3A_471 = arith.constant 3 : i32
    %get3A_472 = arith.index_cast %get3A_471 : i32 to index
    %get3A_473 = arith.constant 80 : index
    %get3A_474 = tpu.vector_load %arg12[%get3A_472, %get3A_473] {strides = array<i32>} : memref<4x128xi32, #tpu.memory_space<vmem>>, vector<16xi32>,
    %mul3A_475 = arith.constant 128 : i32
    %mul3A_476 = vector.broadcast %mul3A_475 : i32 to vector<16xi32>
    %mul3A_477 = arith.muli %get3A_470, %mul3A_476 : vector<16xi32>
    %add3A_478 = arith.addi %mul3A_477, %get3A_474 : vector<16xi32>
    %swap3A_479 = arith.constant 3 : i32
    %swap3A_480 = arith.index_cast %swap3A_479 : i32 to index
    %swap3A_481 = arith.constant 80 : index
    %swap3A_482 = tpu.vector_load %arg13[%swap3A_480, %swap3A_481] {strides = array<i32>} : memref<4x128xi32, #tpu.memory_space<vmem>>, vector<16xi32>,
    tpu.vector_store %arg13[%swap3A_480, %swap3A_481], %add3A_478 {strides = array<i32>} : memref<4x128xi32, #tpu.memory_space<vmem>>, vector<16xi32>,
    %get3A_483 = arith.constant 3 : i32
    %get3A_484 = arith.index_cast %get3A_483 : i32 to index
    %get3A_485 = arith.constant 96 : index
    %get3A_486 = tpu.vector_load %arg11[%get3A_484, %get3A_485] {strides = array<i32>} : memref<4x128xi32, #tpu.memory_space<vmem>>, vector<16xi32>,
    %get3A_487 = arith.constant 3 : i32
    %get3A_488 = arith.index_cast %get3A_487 : i32 to index
    %get3A_489 = arith.constant 96 : index
    %get3A_490 = tpu.vector_load %arg12[%get3A_488, %get3A_489] {strides = array<i32>} : memref<4x128xi32, #tpu.memory_space<vmem>>, vector<16xi32>,
    %mul3A_491 = arith.constant 128 : i32
    %mul3A_492 = vector.broadcast %mul3A_491 : i32 to vector<16xi32>
    %mul3A_493 = arith.muli %get3A_486, %mul3A_492 : vector<16xi32>
    %add3A_494 = arith.addi %mul3A_493, %get3A_490 : vector<16xi32>
    %swap3A_495 = arith.constant 3 : i32
    %swap3A_496 = arith.index_cast %swap3A_495 : i32 to index
    %swap3A_497 = arith.constant 96 : index
    %swap3A_498 = tpu.vector_load %arg13[%swap3A_496, %swap3A_497] {strides = array<i32>} : memref<4x128xi32, #tpu.memory_space<vmem>>, vector<16xi32>,
    tpu.vector_store %arg13[%swap3A_496, %swap3A_497], %add3A_494 {strides = array<i32>} : memref<4x128xi32, #tpu.memory_space<vmem>>, vector<16xi32>,
    %get3A_499 = arith.constant 3 : i32
    %get3A_500 = arith.index_cast %get3A_499 : i32 to index
    %get3A_501 = arith.constant 112 : index
    %get3A_502 = tpu.vector_load %arg11[%get3A_500, %get3A_501] {strides = array<i32>} : memref<4x128xi32, #tpu.memory_space<vmem>>, vector<16xi32>,
    %get3A_503 = arith.constant 3 : i32
    %get3A_504 = arith.index_cast %get3A_503 : i32 to index
    %get3A_505 = arith.constant 112 : index
    %get3A_506 = tpu.vector_load %arg12[%get3A_504, %get3A_505] {strides = array<i32>} : memref<4x128xi32, #tpu.memory_space<vmem>>, vector<16xi32>,
    %mul3A_507 = arith.constant 128 : i32
    %mul3A_508 = vector.broadcast %mul3A_507 : i32 to vector<16xi32>
    %mul3A_509 = arith.muli %get3A_502, %mul3A_508 : vector<16xi32>
    %add3A_510 = arith.addi %mul3A_509, %get3A_506 : vector<16xi32>
    %swap3A_511 = arith.constant 3 : i32
    %swap3A_512 = arith.index_cast %swap3A_511 : i32 to index
    %swap3A_513 = arith.constant 112 : index
    %swap3A_514 = tpu.vector_load %arg13[%swap3A_512, %swap3A_513] {strides = array<i32>} : memref<4x128xi32, #tpu.memory_space<vmem>>, vector<16xi32>,
    tpu.vector_store %arg13[%swap3A_512, %swap3A_513], %add3A_510 {strides = array<i32>} : memref<4x128xi32, #tpu.memory_space<vmem>>, vector<16xi32>,
    %mul3A_515 = arith.constant 512 : i32
    %mul3A_516 = arith.muli %add3A, %mul3A_515 : i32
    %dma_start3A = arith.constant 0 : i32
    %dma_start3A_517 = arith.constant 0 : i32
    %dma_start3A_518 = arith.constant 0 : i32
    %dma_start3A_519 = tpu.memref_slice %arg14[%dma_start3A_517, %dma_start3A_518] : memref<512x128xf32, #tpu.memory_space<vmem>> -> memref<128x128xf32, #tpu.memory_space<vmem>>
    %dma_start3A_520 = arith.constant 0 : i32
    %dma_start3A_521 = tpu.memref_slice %arg11[%dma_start3A, %dma_start3A_520] : memref<4x128xi32, #tpu.memory_space<vmem>> -> memref<1x128xi32, #tpu.memory_space<vmem>>
    %dma_start3A_522 = tpu.memref_squeeze %dma_start3A_521 : memref<1x128xi32, #tpu.memory_space<vmem>> -> memref<128xi32, #tpu.memory_space<vmem>>
    %dma_start3A_523 = arith.constant 0 : i32
    %dma_start3A_524 = arith.constant 0 : i32
    %dma_start3A_525 = tpu.memref_slice %arg2[%dma_start3A_523, %dma_start3A_524] : memref<100000x128xf32, #tpu.memory_space<hbm>> -> memref<100000x128xf32, #tpu.memory_space<hbm>>
    tpu.enqueue_indirect_dma source(%dma_start3A_525 : memref<100000x128xf32, #tpu.memory_space<hbm>>) target(%dma_start3A_519 : memref<128x128xf32, #tpu.memory_space<vmem>>) offsets(%dma_start3A_522 : memref<128xi32, #tpu.memory_space<vmem>>) semaphore(%arg18 : memref<!tpu.dma_semaphore, #tpu.memory_space<semaphore_mem>>)
    %dma_start3A_526 = arith.constant 1 : i32
    %dma_start3A_527 = arith.constant 128 : i32
    %dma_start3A_528 = arith.constant 0 : i32
    %dma_start3A_529 = tpu.memref_slice %arg14[%dma_start3A_527, %dma_start3A_528] : memref<512x128xf32, #tpu.memory_space<vmem>> -> memref<128x128xf32, #tpu.memory_space<vmem>>
    %dma_start3A_530 = arith.constant 0 : i32
    %dma_start3A_531 = tpu.memref_slice %arg11[%dma_start3A_526, %dma_start3A_530] : memref<4x128xi32, #tpu.memory_space<vmem>> -> memref<1x128xi32, #tpu.memory_space<vmem>>
    %dma_start3A_532 = tpu.memref_squeeze %dma_start3A_531 : memref<1x128xi32, #tpu.memory_space<vmem>> -> memref<128xi32, #tpu.memory_space<vmem>>
    %dma_start3A_533 = arith.constant 0 : i32
    %dma_start3A_534 = arith.constant 0 : i32
    %dma_start3A_535 = tpu.memref_slice %arg2[%dma_start3A_533, %dma_start3A_534] : memref<100000x128xf32, #tpu.memory_space<hbm>> -> memref<100000x128xf32, #tpu.memory_space<hbm>>
    tpu.enqueue_indirect_dma source(%dma_start3A_535 : memref<100000x128xf32, #tpu.memory_space<hbm>>) target(%dma_start3A_529 : memref<128x128xf32, #tpu.memory_space<vmem>>) offsets(%dma_start3A_532 : memref<128xi32, #tpu.memory_space<vmem>>) semaphore(%arg18 : memref<!tpu.dma_semaphore, #tpu.memory_space<semaphore_mem>>)
    %dma_start3A_536 = arith.constant 2 : i32
    %dma_start3A_537 = arith.constant 256 : i32
    %dma_start3A_538 = arith.constant 0 : i32
    %dma_start3A_539 = tpu.memref_slice %arg14[%dma_start3A_537, %dma_start3A_538] : memref<512x128xf32, #tpu.memory_space<vmem>> -> memref<128x128xf32, #tpu.memory_space<vmem>>
    %dma_start3A_540 = arith.constant 0 : i32
    %dma_start3A_541 = tpu.memref_slice %arg11[%dma_start3A_536, %dma_start3A_540] : memref<4x128xi32, #tpu.memory_space<vmem>> -> memref<1x128xi32, #tpu.memory_space<vmem>>
    %dma_start3A_542 = tpu.memref_squeeze %dma_start3A_541 : memref<1x128xi32, #tpu.memory_space<vmem>> -> memref<128xi32, #tpu.memory_space<vmem>>
    %dma_start3A_543 = arith.constant 0 : i32
    %dma_start3A_544 = arith.constant 0 : i32
    %dma_start3A_545 = tpu.memref_slice %arg2[%dma_start3A_543, %dma_start3A_544] : memref<100000x128xf32, #tpu.memory_space<hbm>> -> memref<100000x128xf32, #tpu.memory_space<hbm>>
    tpu.enqueue_indirect_dma source(%dma_start3A_545 : memref<100000x128xf32, #tpu.memory_space<hbm>>) target(%dma_start3A_539 : memref<128x128xf32, #tpu.memory_space<vmem>>) offsets(%dma_start3A_542 : memref<128xi32, #tpu.memory_space<vmem>>) semaphore(%arg18 : memref<!tpu.dma_semaphore, #tpu.memory_space<semaphore_mem>>)
    %dma_start3A_546 = arith.constant 3 : i32
    %dma_start3A_547 = arith.constant 384 : i32
    %dma_start3A_548 = arith.constant 0 : i32
    %dma_start3A_549 = tpu.memref_slice %arg14[%dma_start3A_547, %dma_start3A_548] : memref<512x128xf32, #tpu.memory_space<vmem>> -> memref<128x128xf32, #tpu.memory_space<vmem>>
    %dma_start3A_550 = arith.constant 0 : i32
    %dma_start3A_551 = tpu.memref_slice %arg11[%dma_start3A_546, %dma_start3A_550] : memref<4x128xi32, #tpu.memory_space<vmem>> -> memref<1x128xi32, #tpu.memory_space<vmem>>
    %dma_start3A_552 = tpu.memref_squeeze %dma_start3A_551 : memref<1x128xi32, #tpu.memory_space<vmem>> -> memref<128xi32, #tpu.memory_space<vmem>>
    %dma_start3A_553 = arith.constant 0 : i32
    %dma_start3A_554 = arith.constant 0 : i32
    %dma_start3A_555 = tpu.memref_slice %arg2[%dma_start3A_553, %dma_start3A_554] : memref<100000x128xf32, #tpu.memory_space<hbm>> -> memref<100000x128xf32, #tpu.memory_space<hbm>>
    tpu.enqueue_indirect_dma source(%dma_start3A_555 : memref<100000x128xf32, #tpu.memory_space<hbm>>) target(%dma_start3A_549 : memref<128x128xf32, #tpu.memory_space<vmem>>) offsets(%dma_start3A_552 : memref<128xi32, #tpu.memory_space<vmem>>) semaphore(%arg18 : memref<!tpu.dma_semaphore, #tpu.memory_space<semaphore_mem>>)
    %dma_start3A_556 = arith.constant 0 : i32
    %dma_start3A_557 = arith.constant 0 : i32
    %dma_start3A_558 = tpu.memref_slice %arg16[%dma_start3A_557] : memref<512xf32, #tpu.memory_space<vmem>> -> memref<128xf32, #tpu.memory_space<vmem>>
    %dma_start3A_559 = arith.constant 0 : i32
    %dma_start3A_560 = tpu.memref_slice %arg13[%dma_start3A_556, %dma_start3A_559] : memref<4x128xi32, #tpu.memory_space<vmem>> -> memref<1x128xi32, #tpu.memory_space<vmem>>
    %dma_start3A_561 = tpu.memref_squeeze %dma_start3A_560 : memref<1x128xi32, #tpu.memory_space<vmem>> -> memref<128xi32, #tpu.memory_space<vmem>>
    %dma_start3A_562 = arith.constant 0 : i32
    %dma_start3A_563 = tpu.memref_slice %arg3[%dma_start3A_562] : memref<12800000xf32, #tpu.memory_space<hbm>> -> memref<12800000xf32, #tpu.memory_space<hbm>>
    tpu.enqueue_indirect_dma source(%dma_start3A_563 : memref<12800000xf32, #tpu.memory_space<hbm>>) target(%dma_start3A_558 : memref<128xf32, #tpu.memory_space<vmem>>) offsets(%dma_start3A_561 : memref<128xi32, #tpu.memory_space<vmem>>) semaphore(%arg19 : memref<!tpu.dma_semaphore, #tpu.memory_space<semaphore_mem>>)
    %dma_start3A_564 = arith.constant 0 : i32
    %dma_start3A_565 = arith.constant 0 : i32
    %dma_start3A_566 = tpu.memref_slice %arg17[%dma_start3A_565] : memref<512xf32, #tpu.memory_space<vmem>> -> memref<128xf32, #tpu.memory_space<vmem>>
    %dma_start3A_567 = arith.constant 0 : i32
    %dma_start3A_568 = tpu.memref_slice %arg13[%dma_start3A_564, %dma_start3A_567] : memref<4x128xi32, #tpu.memory_space<vmem>> -> memref<1x128xi32, #tpu.memory_space<vmem>>
    %dma_start3A_569 = tpu.memref_squeeze %dma_start3A_568 : memref<1x128xi32, #tpu.memory_space<vmem>> -> memref<128xi32, #tpu.memory_space<vmem>>
    %dma_start3A_570 = arith.constant 0 : i32
    %dma_start3A_571 = tpu.memref_slice %arg4[%dma_start3A_570] : memref<12800000xf32, #tpu.memory_space<hbm>> -> memref<12800000xf32, #tpu.memory_space<hbm>>
    tpu.enqueue_indirect_dma source(%dma_start3A_571 : memref<12800000xf32, #tpu.memory_space<hbm>>) target(%dma_start3A_566 : memref<128xf32, #tpu.memory_space<vmem>>) offsets(%dma_start3A_569 : memref<128xi32, #tpu.memory_space<vmem>>) semaphore(%arg19 : memref<!tpu.dma_semaphore, #tpu.memory_space<semaphore_mem>>)
    %dma_start3A_572 = arith.constant 1 : i32
    %dma_start3A_573 = arith.constant 128 : i32
    %dma_start3A_574 = tpu.memref_slice %arg16[%dma_start3A_573] : memref<512xf32, #tpu.memory_space<vmem>> -> memref<128xf32, #tpu.memory_space<vmem>>
    %dma_start3A_575 = arith.constant 0 : i32
    %dma_start3A_576 = tpu.memref_slice %arg13[%dma_start3A_572, %dma_start3A_575] : memref<4x128xi32, #tpu.memory_space<vmem>> -> memref<1x128xi32, #tpu.memory_space<vmem>>
    %dma_start3A_577 = tpu.memref_squeeze %dma_start3A_576 : memref<1x128xi32, #tpu.memory_space<vmem>> -> memref<128xi32, #tpu.memory_space<vmem>>
    %dma_start3A_578 = arith.constant 0 : i32
    %dma_start3A_579 = tpu.memref_slice %arg3[%dma_start3A_578] : memref<12800000xf32, #tpu.memory_space<hbm>> -> memref<12800000xf32, #tpu.memory_space<hbm>>
    tpu.enqueue_indirect_dma source(%dma_start3A_579 : memref<12800000xf32, #tpu.memory_space<hbm>>) target(%dma_start3A_574 : memref<128xf32, #tpu.memory_space<vmem>>) offsets(%dma_start3A_577 : memref<128xi32, #tpu.memory_space<vmem>>) semaphore(%arg19 : memref<!tpu.dma_semaphore, #tpu.memory_space<semaphore_mem>>)
    %dma_start3A_580 = arith.constant 1 : i32
    %dma_start3A_581 = arith.constant 128 : i32
    %dma_start3A_582 = tpu.memref_slice %arg17[%dma_start3A_581] : memref<512xf32, #tpu.memory_space<vmem>> -> memref<128xf32, #tpu.memory_space<vmem>>
    %dma_start3A_583 = arith.constant 0 : i32
    %dma_start3A_584 = tpu.memref_slice %arg13[%dma_start3A_580, %dma_start3A_583] : memref<4x128xi32, #tpu.memory_space<vmem>> -> memref<1x128xi32, #tpu.memory_space<vmem>>
    %dma_start3A_585 = tpu.memref_squeeze %dma_start3A_584 : memref<1x128xi32, #tpu.memory_space<vmem>> -> memref<128xi32, #tpu.memory_space<vmem>>
    %dma_start3A_586 = arith.constant 0 : i32
    %dma_start3A_587 = tpu.memref_slice %arg4[%dma_start3A_586] : memref<12800000xf32, #tpu.memory_space<hbm>> -> memref<12800000xf32, #tpu.memory_space<hbm>>
    tpu.enqueue_indirect_dma source(%dma_start3A_587 : memref<12800000xf32, #tpu.memory_space<hbm>>) target(%dma_start3A_582 : memref<128xf32, #tpu.memory_space<vmem>>) offsets(%dma_start3A_585 : memref<128xi32, #tpu.memory_space<vmem>>) semaphore(%arg19 : memref<!tpu.dma_semaphore, #tpu.memory_space<semaphore_mem>>)
    %dma_start3A_588 = arith.constant 2 : i32
    %dma_start3A_589 = arith.constant 256 : i32
    %dma_start3A_590 = tpu.memref_slice %arg16[%dma_start3A_589] : memref<512xf32, #tpu.memory_space<vmem>> -> memref<128xf32, #tpu.memory_space<vmem>>
    %dma_start3A_591 = arith.constant 0 : i32
    %dma_start3A_592 = tpu.memref_slice %arg13[%dma_start3A_588, %dma_start3A_591] : memref<4x128xi32, #tpu.memory_space<vmem>> -> memref<1x128xi32, #tpu.memory_space<vmem>>
    %dma_start3A_593 = tpu.memref_squeeze %dma_start3A_592 : memref<1x128xi32, #tpu.memory_space<vmem>> -> memref<128xi32, #tpu.memory_space<vmem>>
    %dma_start3A_594 = arith.constant 0 : i32
    %dma_start3A_595 = tpu.memref_slice %arg3[%dma_start3A_594] : memref<12800000xf32, #tpu.memory_space<hbm>> -> memref<12800000xf32, #tpu.memory_space<hbm>>
    tpu.enqueue_indirect_dma source(%dma_start3A_595 : memref<12800000xf32, #tpu.memory_space<hbm>>) target(%dma_start3A_590 : memref<128xf32, #tpu.memory_space<vmem>>) offsets(%dma_start3A_593 : memref<128xi32, #tpu.memory_space<vmem>>) semaphore(%arg19 : memref<!tpu.dma_semaphore, #tpu.memory_space<semaphore_mem>>)
    %dma_start3A_596 = arith.constant 2 : i32
    %dma_start3A_597 = arith.constant 256 : i32
    %dma_start3A_598 = tpu.memref_slice %arg17[%dma_start3A_597] : memref<512xf32, #tpu.memory_space<vmem>> -> memref<128xf32, #tpu.memory_space<vmem>>
    %dma_start3A_599 = arith.constant 0 : i32
    %dma_start3A_600 = tpu.memref_slice %arg13[%dma_start3A_596, %dma_start3A_599] : memref<4x128xi32, #tpu.memory_space<vmem>> -> memref<1x128xi32, #tpu.memory_space<vmem>>
    %dma_start3A_601 = tpu.memref_squeeze %dma_start3A_600 : memref<1x128xi32, #tpu.memory_space<vmem>> -> memref<128xi32, #tpu.memory_space<vmem>>
    %dma_start3A_602 = arith.constant 0 : i32
    %dma_start3A_603 = tpu.memref_slice %arg4[%dma_start3A_602] : memref<12800000xf32, #tpu.memory_space<hbm>> -> memref<12800000xf32, #tpu.memory_space<hbm>>
    tpu.enqueue_indirect_dma source(%dma_start3A_603 : memref<12800000xf32, #tpu.memory_space<hbm>>) target(%dma_start3A_598 : memref<128xf32, #tpu.memory_space<vmem>>) offsets(%dma_start3A_601 : memref<128xi32, #tpu.memory_space<vmem>>) semaphore(%arg19 : memref<!tpu.dma_semaphore, #tpu.memory_space<semaphore_mem>>)
    %dma_start3A_604 = arith.constant 3 : i32
    %dma_start3A_605 = arith.constant 384 : i32
    %dma_start3A_606 = tpu.memref_slice %arg16[%dma_start3A_605] : memref<512xf32, #tpu.memory_space<vmem>> -> memref<128xf32, #tpu.memory_space<vmem>>
    %dma_start3A_607 = arith.constant 0 : i32
    %dma_start3A_608 = tpu.memref_slice %arg13[%dma_start3A_604, %dma_start3A_607] : memref<4x128xi32, #tpu.memory_space<vmem>> -> memref<1x128xi32, #tpu.memory_space<vmem>>
    %dma_start3A_609 = tpu.memref_squeeze %dma_start3A_608 : memref<1x128xi32, #tpu.memory_space<vmem>> -> memref<128xi32, #tpu.memory_space<vmem>>
    %dma_start3A_610 = arith.constant 0 : i32
    %dma_start3A_611 = tpu.memref_slice %arg3[%dma_start3A_610] : memref<12800000xf32, #tpu.memory_space<hbm>> -> memref<12800000xf32, #tpu.memory_space<hbm>>
    tpu.enqueue_indirect_dma source(%dma_start3A_611 : memref<12800000xf32, #tpu.memory_space<hbm>>) target(%dma_start3A_606 : memref<128xf32, #tpu.memory_space<vmem>>) offsets(%dma_start3A_609 : memref<128xi32, #tpu.memory_space<vmem>>) semaphore(%arg19 : memref<!tpu.dma_semaphore, #tpu.memory_space<semaphore_mem>>)
    %dma_start3A_612 = arith.constant 3 : i32
    %dma_start3A_613 = arith.constant 384 : i32
    %dma_start3A_614 = tpu.memref_slice %arg17[%dma_start3A_613] : memref<512xf32, #tpu.memory_space<vmem>> -> memref<128xf32, #tpu.memory_space<vmem>>
    %dma_start3A_615 = arith.constant 0 : i32
    %dma_start3A_616 = tpu.memref_slice %arg13[%dma_start3A_612, %dma_start3A_615] : memref<4x128xi32, #tpu.memory_space<vmem>> -> memref<1x128xi32, #tpu.memory_space<vmem>>
    %dma_start3A_617 = tpu.memref_squeeze %dma_start3A_616 : memref<1x128xi32, #tpu.memory_space<vmem>> -> memref<128xi32, #tpu.memory_space<vmem>>
    %dma_start3A_618 = arith.constant 0 : i32
    %dma_start3A_619 = tpu.memref_slice %arg4[%dma_start3A_618] : memref<12800000xf32, #tpu.memory_space<hbm>> -> memref<12800000xf32, #tpu.memory_space<hbm>>
    tpu.enqueue_indirect_dma source(%dma_start3A_619 : memref<12800000xf32, #tpu.memory_space<hbm>>) target(%dma_start3A_614 : memref<128xf32, #tpu.memory_space<vmem>>) offsets(%dma_start3A_617 : memref<128xi32, #tpu.memory_space<vmem>>) semaphore(%arg19 : memref<!tpu.dma_semaphore, #tpu.memory_space<semaphore_mem>>)
    %dma_wait3A = arith.constant 0 : i32
    %dma_wait3A_620 = arith.constant 0 : i32
    %dma_wait3A_621 = arith.constant 0 : i32
    %dma_wait3A_622 = tpu.memref_slice %arg14[%dma_wait3A_620, %dma_wait3A_621] : memref<512x128xf32, #tpu.memory_space<vmem>> -> memref<128x128xf32, #tpu.memory_space<vmem>>
    %dma_wait3A_623 = arith.constant 0 : i32
    %dma_wait3A_624 = tpu.memref_slice %arg11[%dma_wait3A, %dma_wait3A_623] : memref<4x128xi32, #tpu.memory_space<vmem>> -> memref<1x128xi32, #tpu.memory_space<vmem>>
    %dma_wait3A_625 = tpu.memref_squeeze %dma_wait3A_624 : memref<1x128xi32, #tpu.memory_space<vmem>> -> memref<128xi32, #tpu.memory_space<vmem>>
    %dma_wait3A_626 = arith.constant 0 : i32
    %dma_wait3A_627 = arith.constant 0 : i32
    %dma_wait3A_628 = tpu.memref_slice %arg2[%dma_wait3A_626, %dma_wait3A_627] : memref<100000x128xf32, #tpu.memory_space<hbm>> -> memref<100000x128xf32, #tpu.memory_space<hbm>>
    tpu.wait_indirect_dma semaphore(%arg18 : memref<!tpu.dma_semaphore, #tpu.memory_space<semaphore_mem>>) src(%dma_wait3A_628 : memref<100000x128xf32, #tpu.memory_space<hbm>>) dst(%dma_wait3A_622 : memref<128x128xf32, #tpu.memory_space<vmem>>)
    %add3A_629 = arith.constant 0 : i32
    %add3A_630 = arith.addi %mul3A_516, %add3A_629 : i32
    %dma_start3A_631 = arith.constant 0 : i32
    %dma_start3A_632 = arith.constant 0 : i32
    %dma_start3A_633 = tpu.memref_slice %arg14[%dma_start3A_631, %dma_start3A_632] : memref<512x128xf32, #tpu.memory_space<vmem>> -> memref<128x128xf32, #tpu.memory_space<vmem>>
    %dma_start3A_634 = arith.constant 0 : i32
    %dma_start3A_635 = tpu.memref_slice %arg7[%add3A_630, %dma_start3A_634] : memref<16384x128xf32, #tpu.memory_space<hbm>> -> memref<128x128xf32, #tpu.memory_space<hbm>>
    %dma_start3A_636 = arith.constant 0 : i32
    %dma_start3A_637 = tpu.memref_slice %arg7[%add3A_630, %dma_start3A_636] : memref<16384x128xf32, #tpu.memory_space<hbm>> -> memref<128x128xf32, #tpu.memory_space<hbm>>
    %dma_start3A_638 = arith.constant 0 : i32
    %dma_start3A_639 = arith.constant 0 : i32
    %dma_start3A_640 = tpu.memref_slice %arg14[%dma_start3A_638, %dma_start3A_639] : memref<512x128xf32, #tpu.memory_space<vmem>> -> memref<128x128xf32, #tpu.memory_space<vmem>>
    tpu.enqueue_dma source(%dma_start3A_640 : memref<128x128xf32, #tpu.memory_space<vmem>>) target(%dma_start3A_637 : memref<128x128xf32, #tpu.memory_space<hbm>>) target_semaphore(%arg20 : memref<!tpu.dma_semaphore, #tpu.memory_space<semaphore_mem>>)
    %iota3A = tpu.iota {dimensions = array<i32: 0>} : vector<16xi32>
    %add3A_641 = arith.constant 0 : i32
    %add3A_642 = vector.broadcast %add3A_641 : i32 to vector<16xi32>
    %add3A_643 = arith.addi %iota3A, %add3A_642 : vector<16xi32>
    %get3A_644 = arith.constant 0 : i32
    %get3A_645 = arith.index_cast %get3A_644 : i32 to index
    %get3A_646 = arith.constant 0 : index
    %get3A_647 = tpu.vector_load %arg12[%get3A_645, %get3A_646] {strides = array<i32>} : memref<4x128xi32, #tpu.memory_space<vmem>>, vector<16xi32>,
    %gather3A = tpu.vector_load_idx %arg14[%add3A_643, %get3A_647] : memref<512x128xf32, #tpu.memory_space<vmem>>[vector<16xi32>, vector<16xi32>], vector<16xf32>,
    %swap3A_648 = arith.constant 0 : index
    %swap3A_649 = tpu.vector_load %arg15[%swap3A_648] {strides = array<i32>} : memref<512xf32, #tpu.memory_space<vmem>>, vector<16xf32>,
    tpu.vector_store %arg15[%swap3A_648], %gather3A {strides = array<i32>} : memref<512xf32, #tpu.memory_space<vmem>>, vector<16xf32>,
    %iota3A_650 = tpu.iota {dimensions = array<i32: 0>} : vector<16xi32>
    %add3A_651 = arith.constant 16 : i32
    %add3A_652 = vector.broadcast %add3A_651 : i32 to vector<16xi32>
    %add3A_653 = arith.addi %iota3A_650, %add3A_652 : vector<16xi32>
    %get3A_654 = arith.constant 0 : i32
    %get3A_655 = arith.index_cast %get3A_654 : i32 to index
    %get3A_656 = arith.constant 16 : index
    %get3A_657 = tpu.vector_load %arg12[%get3A_655, %get3A_656] {strides = array<i32>} : memref<4x128xi32, #tpu.memory_space<vmem>>, vector<16xi32>,
    %gather3A_658 = tpu.vector_load_idx %arg14[%add3A_653, %get3A_657] : memref<512x128xf32, #tpu.memory_space<vmem>>[vector<16xi32>, vector<16xi32>], vector<16xf32>,
    %swap3A_659 = arith.constant 16 : index
    %swap3A_660 = tpu.vector_load %arg15[%swap3A_659] {strides = array<i32>} : memref<512xf32, #tpu.memory_space<vmem>>, vector<16xf32>,
    tpu.vector_store %arg15[%swap3A_659], %gather3A_658 {strides = array<i32>} : memref<512xf32, #tpu.memory_space<vmem>>, vector<16xf32>,
    %iota3A_661 = tpu.iota {dimensions = array<i32: 0>} : vector<16xi32>
    %add3A_662 = arith.constant 32 : i32
    %add3A_663 = vector.broadcast %add3A_662 : i32 to vector<16xi32>
    %add3A_664 = arith.addi %iota3A_661, %add3A_663 : vector<16xi32>
    %get3A_665 = arith.constant 0 : i32
    %get3A_666 = arith.index_cast %get3A_665 : i32 to index
    %get3A_667 = arith.constant 32 : index
    %get3A_668 = tpu.vector_load %arg12[%get3A_666, %get3A_667] {strides = array<i32>} : memref<4x128xi32, #tpu.memory_space<vmem>>, vector<16xi32>,
    %gather3A_669 = tpu.vector_load_idx %arg14[%add3A_664, %get3A_668] : memref<512x128xf32, #tpu.memory_space<vmem>>[vector<16xi32>, vector<16xi32>], vector<16xf32>,
    %swap3A_670 = arith.constant 32 : index
    %swap3A_671 = tpu.vector_load %arg15[%swap3A_670] {strides = array<i32>} : memref<512xf32, #tpu.memory_space<vmem>>, vector<16xf32>,
    tpu.vector_store %arg15[%swap3A_670], %gather3A_669 {strides = array<i32>} : memref<512xf32, #tpu.memory_space<vmem>>, vector<16xf32>,
    %iota3A_672 = tpu.iota {dimensions = array<i32: 0>} : vector<16xi32>
    %add3A_673 = arith.constant 48 : i32
    %add3A_674 = vector.broadcast %add3A_673 : i32 to vector<16xi32>
    %add3A_675 = arith.addi %iota3A_672, %add3A_674 : vector<16xi32>
    %get3A_676 = arith.constant 0 : i32
    %get3A_677 = arith.index_cast %get3A_676 : i32 to index
    %get3A_678 = arith.constant 48 : index
    %get3A_679 = tpu.vector_load %arg12[%get3A_677, %get3A_678] {strides = array<i32>} : memref<4x128xi32, #tpu.memory_space<vmem>>, vector<16xi32>,
    %gather3A_680 = tpu.vector_load_idx %arg14[%add3A_675, %get3A_679] : memref<512x128xf32, #tpu.memory_space<vmem>>[vector<16xi32>, vector<16xi32>], vector<16xf32>,
    %swap3A_681 = arith.constant 48 : index
    %swap3A_682 = tpu.vector_load %arg15[%swap3A_681] {strides = array<i32>} : memref<512xf32, #tpu.memory_space<vmem>>, vector<16xf32>,
    tpu.vector_store %arg15[%swap3A_681], %gather3A_680 {strides = array<i32>} : memref<512xf32, #tpu.memory_space<vmem>>, vector<16xf32>,
    %iota3A_683 = tpu.iota {dimensions = array<i32: 0>} : vector<16xi32>
    %add3A_684 = arith.constant 64 : i32
    %add3A_685 = vector.broadcast %add3A_684 : i32 to vector<16xi32>
    %add3A_686 = arith.addi %iota3A_683, %add3A_685 : vector<16xi32>
    %get3A_687 = arith.constant 0 : i32
    %get3A_688 = arith.index_cast %get3A_687 : i32 to index
    %get3A_689 = arith.constant 64 : index
    %get3A_690 = tpu.vector_load %arg12[%get3A_688, %get3A_689] {strides = array<i32>} : memref<4x128xi32, #tpu.memory_space<vmem>>, vector<16xi32>,
    %gather3A_691 = tpu.vector_load_idx %arg14[%add3A_686, %get3A_690] : memref<512x128xf32, #tpu.memory_space<vmem>>[vector<16xi32>, vector<16xi32>], vector<16xf32>,
    %swap3A_692 = arith.constant 64 : index
    %swap3A_693 = tpu.vector_load %arg15[%swap3A_692] {strides = array<i32>} : memref<512xf32, #tpu.memory_space<vmem>>, vector<16xf32>,
    tpu.vector_store %arg15[%swap3A_692], %gather3A_691 {strides = array<i32>} : memref<512xf32, #tpu.memory_space<vmem>>, vector<16xf32>,
    %iota3A_694 = tpu.iota {dimensions = array<i32: 0>} : vector<16xi32>
    %add3A_695 = arith.constant 80 : i32
    %add3A_696 = vector.broadcast %add3A_695 : i32 to vector<16xi32>
    %add3A_697 = arith.addi %iota3A_694, %add3A_696 : vector<16xi32>
    %get3A_698 = arith.constant 0 : i32
    %get3A_699 = arith.index_cast %get3A_698 : i32 to index
    %get3A_700 = arith.constant 80 : index
    %get3A_701 = tpu.vector_load %arg12[%get3A_699, %get3A_700] {strides = array<i32>} : memref<4x128xi32, #tpu.memory_space<vmem>>, vector<16xi32>,
    %gather3A_702 = tpu.vector_load_idx %arg14[%add3A_697, %get3A_701] : memref<512x128xf32, #tpu.memory_space<vmem>>[vector<16xi32>, vector<16xi32>], vector<16xf32>,
    %swap3A_703 = arith.constant 80 : index
    %swap3A_704 = tpu.vector_load %arg15[%swap3A_703] {strides = array<i32>} : memref<512xf32, #tpu.memory_space<vmem>>, vector<16xf32>,
    tpu.vector_store %arg15[%swap3A_703], %gather3A_702 {strides = array<i32>} : memref<512xf32, #tpu.memory_space<vmem>>, vector<16xf32>,
    %iota3A_705 = tpu.iota {dimensions = array<i32: 0>} : vector<16xi32>
    %add3A_706 = arith.constant 96 : i32
    %add3A_707 = vector.broadcast %add3A_706 : i32 to vector<16xi32>
    %add3A_708 = arith.addi %iota3A_705, %add3A_707 : vector<16xi32>
    %get3A_709 = arith.constant 0 : i32
    %get3A_710 = arith.index_cast %get3A_709 : i32 to index
    %get3A_711 = arith.constant 96 : index
    %get3A_712 = tpu.vector_load %arg12[%get3A_710, %get3A_711] {strides = array<i32>} : memref<4x128xi32, #tpu.memory_space<vmem>>, vector<16xi32>,
    %gather3A_713 = tpu.vector_load_idx %arg14[%add3A_708, %get3A_712] : memref<512x128xf32, #tpu.memory_space<vmem>>[vector<16xi32>, vector<16xi32>], vector<16xf32>,
    %swap3A_714 = arith.constant 96 : index
    %swap3A_715 = tpu.vector_load %arg15[%swap3A_714] {strides = array<i32>} : memref<512xf32, #tpu.memory_space<vmem>>, vector<16xf32>,
    tpu.vector_store %arg15[%swap3A_714], %gather3A_713 {strides = array<i32>} : memref<512xf32, #tpu.memory_space<vmem>>, vector<16xf32>,
    %iota3A_716 = tpu.iota {dimensions = array<i32: 0>} : vector<16xi32>
    %add3A_717 = arith.constant 112 : i32
    %add3A_718 = vector.broadcast %add3A_717 : i32 to vector<16xi32>
    %add3A_719 = arith.addi %iota3A_716, %add3A_718 : vector<16xi32>
    %get3A_720 = arith.constant 0 : i32
    %get3A_721 = arith.index_cast %get3A_720 : i32 to index
    %get3A_722 = arith.constant 112 : index
    %get3A_723 = tpu.vector_load %arg12[%get3A_721, %get3A_722] {strides = array<i32>} : memref<4x128xi32, #tpu.memory_space<vmem>>, vector<16xi32>,
    %gather3A_724 = tpu.vector_load_idx %arg14[%add3A_719, %get3A_723] : memref<512x128xf32, #tpu.memory_space<vmem>>[vector<16xi32>, vector<16xi32>], vector<16xf32>,
    %swap3A_725 = arith.constant 112 : index
    %swap3A_726 = tpu.vector_load %arg15[%swap3A_725] {strides = array<i32>} : memref<512xf32, #tpu.memory_space<vmem>>, vector<16xf32>,
    tpu.vector_store %arg15[%swap3A_725], %gather3A_724 {strides = array<i32>} : memref<512xf32, #tpu.memory_space<vmem>>, vector<16xf32>,
    %dma_wait3A_727 = arith.constant 1 : i32
    %dma_wait3A_728 = arith.constant 128 : i32
    %dma_wait3A_729 = arith.constant 0 : i32
    %dma_wait3A_730 = tpu.memref_slice %arg14[%dma_wait3A_728, %dma_wait3A_729] : memref<512x128xf32, #tpu.memory_space<vmem>> -> memref<128x128xf32, #tpu.memory_space<vmem>>
    %dma_wait3A_731 = arith.constant 0 : i32
    %dma_wait3A_732 = tpu.memref_slice %arg11[%dma_wait3A_727, %dma_wait3A_731] : memref<4x128xi32, #tpu.memory_space<vmem>> -> memref<1x128xi32, #tpu.memory_space<vmem>>
    %dma_wait3A_733 = tpu.memref_squeeze %dma_wait3A_732 : memref<1x128xi32, #tpu.memory_space<vmem>> -> memref<128xi32, #tpu.memory_space<vmem>>
    %dma_wait3A_734 = arith.constant 0 : i32
    %dma_wait3A_735 = arith.constant 0 : i32
    %dma_wait3A_736 = tpu.memref_slice %arg2[%dma_wait3A_734, %dma_wait3A_735] : memref<100000x128xf32, #tpu.memory_space<hbm>> -> memref<100000x128xf32, #tpu.memory_space<hbm>>
    tpu.wait_indirect_dma semaphore(%arg18 : memref<!tpu.dma_semaphore, #tpu.memory_space<semaphore_mem>>) src(%dma_wait3A_736 : memref<100000x128xf32, #tpu.memory_space<hbm>>) dst(%dma_wait3A_730 : memref<128x128xf32, #tpu.memory_space<vmem>>)
    %add3A_737 = arith.constant 128 : i32
    %add3A_738 = arith.addi %mul3A_516, %add3A_737 : i32
    %dma_start3A_739 = arith.constant 128 : i32
    %dma_start3A_740 = arith.constant 0 : i32
    %dma_start3A_741 = tpu.memref_slice %arg14[%dma_start3A_739, %dma_start3A_740] : memref<512x128xf32, #tpu.memory_space<vmem>> -> memref<128x128xf32, #tpu.memory_space<vmem>>
    %dma_start3A_742 = arith.constant 0 : i32
    %dma_start3A_743 = tpu.memref_slice %arg7[%add3A_738, %dma_start3A_742] : memref<16384x128xf32, #tpu.memory_space<hbm>> -> memref<128x128xf32, #tpu.memory_space<hbm>>
    %dma_start3A_744 = arith.constant 0 : i32
    %dma_start3A_745 = tpu.memref_slice %arg7[%add3A_738, %dma_start3A_744] : memref<16384x128xf32, #tpu.memory_space<hbm>> -> memref<128x128xf32, #tpu.memory_space<hbm>>
    %dma_start3A_746 = arith.constant 128 : i32
    %dma_start3A_747 = arith.constant 0 : i32
    %dma_start3A_748 = tpu.memref_slice %arg14[%dma_start3A_746, %dma_start3A_747] : memref<512x128xf32, #tpu.memory_space<vmem>> -> memref<128x128xf32, #tpu.memory_space<vmem>>
    tpu.enqueue_dma source(%dma_start3A_748 : memref<128x128xf32, #tpu.memory_space<vmem>>) target(%dma_start3A_745 : memref<128x128xf32, #tpu.memory_space<hbm>>) target_semaphore(%arg20 : memref<!tpu.dma_semaphore, #tpu.memory_space<semaphore_mem>>)
    %iota3A_749 = tpu.iota {dimensions = array<i32: 0>} : vector<16xi32>
    %add3A_750 = arith.constant 128 : i32
    %add3A_751 = vector.broadcast %add3A_750 : i32 to vector<16xi32>
    %add3A_752 = arith.addi %iota3A_749, %add3A_751 : vector<16xi32>
    %get3A_753 = arith.constant 1 : i32
    %get3A_754 = arith.index_cast %get3A_753 : i32 to index
    %get3A_755 = arith.constant 0 : index
    %get3A_756 = tpu.vector_load %arg12[%get3A_754, %get3A_755] {strides = array<i32>} : memref<4x128xi32, #tpu.memory_space<vmem>>, vector<16xi32>,
    %gather3A_757 = tpu.vector_load_idx %arg14[%add3A_752, %get3A_756] : memref<512x128xf32, #tpu.memory_space<vmem>>[vector<16xi32>, vector<16xi32>], vector<16xf32>,
    %swap3A_758 = arith.constant 128 : index
    %swap3A_759 = tpu.vector_load %arg15[%swap3A_758] {strides = array<i32>} : memref<512xf32, #tpu.memory_space<vmem>>, vector<16xf32>,
    tpu.vector_store %arg15[%swap3A_758], %gather3A_757 {strides = array<i32>} : memref<512xf32, #tpu.memory_space<vmem>>, vector<16xf32>,
    %iota3A_760 = tpu.iota {dimensions = array<i32: 0>} : vector<16xi32>
    %add3A_761 = arith.constant 144 : i32
    %add3A_762 = vector.broadcast %add3A_761 : i32 to vector<16xi32>
    %add3A_763 = arith.addi %iota3A_760, %add3A_762 : vector<16xi32>
    %get3A_764 = arith.constant 1 : i32
    %get3A_765 = arith.index_cast %get3A_764 : i32 to index
    %get3A_766 = arith.constant 16 : index
    %get3A_767 = tpu.vector_load %arg12[%get3A_765, %get3A_766] {strides = array<i32>} : memref<4x128xi32, #tpu.memory_space<vmem>>, vector<16xi32>,
    %gather3A_768 = tpu.vector_load_idx %arg14[%add3A_763, %get3A_767] : memref<512x128xf32, #tpu.memory_space<vmem>>[vector<16xi32>, vector<16xi32>], vector<16xf32>,
    %swap3A_769 = arith.constant 144 : index
    %swap3A_770 = tpu.vector_load %arg15[%swap3A_769] {strides = array<i32>} : memref<512xf32, #tpu.memory_space<vmem>>, vector<16xf32>,
    tpu.vector_store %arg15[%swap3A_769], %gather3A_768 {strides = array<i32>} : memref<512xf32, #tpu.memory_space<vmem>>, vector<16xf32>,
    %iota3A_771 = tpu.iota {dimensions = array<i32: 0>} : vector<16xi32>
    %add3A_772 = arith.constant 160 : i32
    %add3A_773 = vector.broadcast %add3A_772 : i32 to vector<16xi32>
    %add3A_774 = arith.addi %iota3A_771, %add3A_773 : vector<16xi32>
    %get3A_775 = arith.constant 1 : i32
    %get3A_776 = arith.index_cast %get3A_775 : i32 to index
    %get3A_777 = arith.constant 32 : index
    %get3A_778 = tpu.vector_load %arg12[%get3A_776, %get3A_777] {strides = array<i32>} : memref<4x128xi32, #tpu.memory_space<vmem>>, vector<16xi32>,
    %gather3A_779 = tpu.vector_load_idx %arg14[%add3A_774, %get3A_778] : memref<512x128xf32, #tpu.memory_space<vmem>>[vector<16xi32>, vector<16xi32>], vector<16xf32>,
    %swap3A_780 = arith.constant 160 : index
    %swap3A_781 = tpu.vector_load %arg15[%swap3A_780] {strides = array<i32>} : memref<512xf32, #tpu.memory_space<vmem>>, vector<16xf32>,
    tpu.vector_store %arg15[%swap3A_780], %gather3A_779 {strides = array<i32>} : memref<512xf32, #tpu.memory_space<vmem>>, vector<16xf32>,
    %iota3A_782 = tpu.iota {dimensions = array<i32: 0>} : vector<16xi32>
    %add3A_783 = arith.constant 176 : i32
    %add3A_784 = vector.broadcast %add3A_783 : i32 to vector<16xi32>
    %add3A_785 = arith.addi %iota3A_782, %add3A_784 : vector<16xi32>
    %get3A_786 = arith.constant 1 : i32
    %get3A_787 = arith.index_cast %get3A_786 : i32 to index
    %get3A_788 = arith.constant 48 : index
    %get3A_789 = tpu.vector_load %arg12[%get3A_787, %get3A_788] {strides = array<i32>} : memref<4x128xi32, #tpu.memory_space<vmem>>, vector<16xi32>,
    %gather3A_790 = tpu.vector_load_idx %arg14[%add3A_785, %get3A_789] : memref<512x128xf32, #tpu.memory_space<vmem>>[vector<16xi32>, vector<16xi32>], vector<16xf32>,
    %swap3A_791 = arith.constant 176 : index
    %swap3A_792 = tpu.vector_load %arg15[%swap3A_791] {strides = array<i32>} : memref<512xf32, #tpu.memory_space<vmem>>, vector<16xf32>,
    tpu.vector_store %arg15[%swap3A_791], %gather3A_790 {strides = array<i32>} : memref<512xf32, #tpu.memory_space<vmem>>, vector<16xf32>,
    %iota3A_793 = tpu.iota {dimensions = array<i32: 0>} : vector<16xi32>
    %add3A_794 = arith.constant 192 : i32
    %add3A_795 = vector.broadcast %add3A_794 : i32 to vector<16xi32>
    %add3A_796 = arith.addi %iota3A_793, %add3A_795 : vector<16xi32>
    %get3A_797 = arith.constant 1 : i32
    %get3A_798 = arith.index_cast %get3A_797 : i32 to index
    %get3A_799 = arith.constant 64 : index
    %get3A_800 = tpu.vector_load %arg12[%get3A_798, %get3A_799] {strides = array<i32>} : memref<4x128xi32, #tpu.memory_space<vmem>>, vector<16xi32>,
    %gather3A_801 = tpu.vector_load_idx %arg14[%add3A_796, %get3A_800] : memref<512x128xf32, #tpu.memory_space<vmem>>[vector<16xi32>, vector<16xi32>], vector<16xf32>,
    %swap3A_802 = arith.constant 192 : index
    %swap3A_803 = tpu.vector_load %arg15[%swap3A_802] {strides = array<i32>} : memref<512xf32, #tpu.memory_space<vmem>>, vector<16xf32>,
    tpu.vector_store %arg15[%swap3A_802], %gather3A_801 {strides = array<i32>} : memref<512xf32, #tpu.memory_space<vmem>>, vector<16xf32>,
    %iota3A_804 = tpu.iota {dimensions = array<i32: 0>} : vector<16xi32>
    %add3A_805 = arith.constant 208 : i32
    %add3A_806 = vector.broadcast %add3A_805 : i32 to vector<16xi32>
    %add3A_807 = arith.addi %iota3A_804, %add3A_806 : vector<16xi32>
    %get3A_808 = arith.constant 1 : i32
    %get3A_809 = arith.index_cast %get3A_808 : i32 to index
    %get3A_810 = arith.constant 80 : index
    %get3A_811 = tpu.vector_load %arg12[%get3A_809, %get3A_810] {strides = array<i32>} : memref<4x128xi32, #tpu.memory_space<vmem>>, vector<16xi32>,
    %gather3A_812 = tpu.vector_load_idx %arg14[%add3A_807, %get3A_811] : memref<512x128xf32, #tpu.memory_space<vmem>>[vector<16xi32>, vector<16xi32>], vector<16xf32>,
    %swap3A_813 = arith.constant 208 : index
    %swap3A_814 = tpu.vector_load %arg15[%swap3A_813] {strides = array<i32>} : memref<512xf32, #tpu.memory_space<vmem>>, vector<16xf32>,
    tpu.vector_store %arg15[%swap3A_813], %gather3A_812 {strides = array<i32>} : memref<512xf32, #tpu.memory_space<vmem>>, vector<16xf32>,
    %iota3A_815 = tpu.iota {dimensions = array<i32: 0>} : vector<16xi32>
    %add3A_816 = arith.constant 224 : i32
    %add3A_817 = vector.broadcast %add3A_816 : i32 to vector<16xi32>
    %add3A_818 = arith.addi %iota3A_815, %add3A_817 : vector<16xi32>
    %get3A_819 = arith.constant 1 : i32
    %get3A_820 = arith.index_cast %get3A_819 : i32 to index
    %get3A_821 = arith.constant 96 : index
    %get3A_822 = tpu.vector_load %arg12[%get3A_820, %get3A_821] {strides = array<i32>} : memref<4x128xi32, #tpu.memory_space<vmem>>, vector<16xi32>,
    %gather3A_823 = tpu.vector_load_idx %arg14[%add3A_818, %get3A_822] : memref<512x128xf32, #tpu.memory_space<vmem>>[vector<16xi32>, vector<16xi32>], vector<16xf32>,
    %swap3A_824 = arith.constant 224 : index
    %swap3A_825 = tpu.vector_load %arg15[%swap3A_824] {strides = array<i32>} : memref<512xf32, #tpu.memory_space<vmem>>, vector<16xf32>,
    tpu.vector_store %arg15[%swap3A_824], %gather3A_823 {strides = array<i32>} : memref<512xf32, #tpu.memory_space<vmem>>, vector<16xf32>,
    %iota3A_826 = tpu.iota {dimensions = array<i32: 0>} : vector<16xi32>
    %add3A_827 = arith.constant 240 : i32
    %add3A_828 = vector.broadcast %add3A_827 : i32 to vector<16xi32>
    %add3A_829 = arith.addi %iota3A_826, %add3A_828 : vector<16xi32>
    %get3A_830 = arith.constant 1 : i32
    %get3A_831 = arith.index_cast %get3A_830 : i32 to index
    %get3A_832 = arith.constant 112 : index
    %get3A_833 = tpu.vector_load %arg12[%get3A_831, %get3A_832] {strides = array<i32>} : memref<4x128xi32, #tpu.memory_space<vmem>>, vector<16xi32>,
    %gather3A_834 = tpu.vector_load_idx %arg14[%add3A_829, %get3A_833] : memref<512x128xf32, #tpu.memory_space<vmem>>[vector<16xi32>, vector<16xi32>], vector<16xf32>,
    %swap3A_835 = arith.constant 240 : index
    %swap3A_836 = tpu.vector_load %arg15[%swap3A_835] {strides = array<i32>} : memref<512xf32, #tpu.memory_space<vmem>>, vector<16xf32>,
    tpu.vector_store %arg15[%swap3A_835], %gather3A_834 {strides = array<i32>} : memref<512xf32, #tpu.memory_space<vmem>>, vector<16xf32>,
    %dma_wait3A_837 = arith.constant 2 : i32
    %dma_wait3A_838 = arith.constant 256 : i32
    %dma_wait3A_839 = arith.constant 0 : i32
    %dma_wait3A_840 = tpu.memref_slice %arg14[%dma_wait3A_838, %dma_wait3A_839] : memref<512x128xf32, #tpu.memory_space<vmem>> -> memref<128x128xf32, #tpu.memory_space<vmem>>
    %dma_wait3A_841 = arith.constant 0 : i32
    %dma_wait3A_842 = tpu.memref_slice %arg11[%dma_wait3A_837, %dma_wait3A_841] : memref<4x128xi32, #tpu.memory_space<vmem>> -> memref<1x128xi32, #tpu.memory_space<vmem>>
    %dma_wait3A_843 = tpu.memref_squeeze %dma_wait3A_842 : memref<1x128xi32, #tpu.memory_space<vmem>> -> memref<128xi32, #tpu.memory_space<vmem>>
    %dma_wait3A_844 = arith.constant 0 : i32
    %dma_wait3A_845 = arith.constant 0 : i32
    %dma_wait3A_846 = tpu.memref_slice %arg2[%dma_wait3A_844, %dma_wait3A_845] : memref<100000x128xf32, #tpu.memory_space<hbm>> -> memref<100000x128xf32, #tpu.memory_space<hbm>>
    tpu.wait_indirect_dma semaphore(%arg18 : memref<!tpu.dma_semaphore, #tpu.memory_space<semaphore_mem>>) src(%dma_wait3A_846 : memref<100000x128xf32, #tpu.memory_space<hbm>>) dst(%dma_wait3A_840 : memref<128x128xf32, #tpu.memory_space<vmem>>)
    %add3A_847 = arith.constant 256 : i32
    %add3A_848 = arith.addi %mul3A_516, %add3A_847 : i32
    %dma_start3A_849 = arith.constant 256 : i32
    %dma_start3A_850 = arith.constant 0 : i32
    %dma_start3A_851 = tpu.memref_slice %arg14[%dma_start3A_849, %dma_start3A_850] : memref<512x128xf32, #tpu.memory_space<vmem>> -> memref<128x128xf32, #tpu.memory_space<vmem>>
    %dma_start3A_852 = arith.constant 0 : i32
    %dma_start3A_853 = tpu.memref_slice %arg7[%add3A_848, %dma_start3A_852] : memref<16384x128xf32, #tpu.memory_space<hbm>> -> memref<128x128xf32, #tpu.memory_space<hbm>>
    %dma_start3A_854 = arith.constant 0 : i32
    %dma_start3A_855 = tpu.memref_slice %arg7[%add3A_848, %dma_start3A_854] : memref<16384x128xf32, #tpu.memory_space<hbm>> -> memref<128x128xf32, #tpu.memory_space<hbm>>
    %dma_start3A_856 = arith.constant 256 : i32
    %dma_start3A_857 = arith.constant 0 : i32
    %dma_start3A_858 = tpu.memref_slice %arg14[%dma_start3A_856, %dma_start3A_857] : memref<512x128xf32, #tpu.memory_space<vmem>> -> memref<128x128xf32, #tpu.memory_space<vmem>>
    tpu.enqueue_dma source(%dma_start3A_858 : memref<128x128xf32, #tpu.memory_space<vmem>>) target(%dma_start3A_855 : memref<128x128xf32, #tpu.memory_space<hbm>>) target_semaphore(%arg20 : memref<!tpu.dma_semaphore, #tpu.memory_space<semaphore_mem>>)
    %iota3A_859 = tpu.iota {dimensions = array<i32: 0>} : vector<16xi32>
    %add3A_860 = arith.constant 256 : i32
    %add3A_861 = vector.broadcast %add3A_860 : i32 to vector<16xi32>
    %add3A_862 = arith.addi %iota3A_859, %add3A_861 : vector<16xi32>
    %get3A_863 = arith.constant 2 : i32
    %get3A_864 = arith.index_cast %get3A_863 : i32 to index
    %get3A_865 = arith.constant 0 : index
    %get3A_866 = tpu.vector_load %arg12[%get3A_864, %get3A_865] {strides = array<i32>} : memref<4x128xi32, #tpu.memory_space<vmem>>, vector<16xi32>,
    %gather3A_867 = tpu.vector_load_idx %arg14[%add3A_862, %get3A_866] : memref<512x128xf32, #tpu.memory_space<vmem>>[vector<16xi32>, vector<16xi32>], vector<16xf32>,
    %swap3A_868 = arith.constant 256 : index
    %swap3A_869 = tpu.vector_load %arg15[%swap3A_868] {strides = array<i32>} : memref<512xf32, #tpu.memory_space<vmem>>, vector<16xf32>,
    tpu.vector_store %arg15[%swap3A_868], %gather3A_867 {strides = array<i32>} : memref<512xf32, #tpu.memory_space<vmem>>, vector<16xf32>,
    %iota3A_870 = tpu.iota {dimensions = array<i32: 0>} : vector<16xi32>
    %add3A_871 = arith.constant 272 : i32
    %add3A_872 = vector.broadcast %add3A_871 : i32 to vector<16xi32>
    %add3A_873 = arith.addi %iota3A_870, %add3A_872 : vector<16xi32>
    %get3A_874 = arith.constant 2 : i32
    %get3A_875 = arith.index_cast %get3A_874 : i32 to index
    %get3A_876 = arith.constant 16 : index
    %get3A_877 = tpu.vector_load %arg12[%get3A_875, %get3A_876] {strides = array<i32>} : memref<4x128xi32, #tpu.memory_space<vmem>>, vector<16xi32>,
    %gather3A_878 = tpu.vector_load_idx %arg14[%add3A_873, %get3A_877] : memref<512x128xf32, #tpu.memory_space<vmem>>[vector<16xi32>, vector<16xi32>], vector<16xf32>,
    %swap3A_879 = arith.constant 272 : index
    %swap3A_880 = tpu.vector_load %arg15[%swap3A_879] {strides = array<i32>} : memref<512xf32, #tpu.memory_space<vmem>>, vector<16xf32>,
    tpu.vector_store %arg15[%swap3A_879], %gather3A_878 {strides = array<i32>} : memref<512xf32, #tpu.memory_space<vmem>>, vector<16xf32>,
    %iota3A_881 = tpu.iota {dimensions = array<i32: 0>} : vector<16xi32>
    %add3A_882 = arith.constant 288 : i32
    %add3A_883 = vector.broadcast %add3A_882 : i32 to vector<16xi32>
    %add3A_884 = arith.addi %iota3A_881, %add3A_883 : vector<16xi32>
    %get3A_885 = arith.constant 2 : i32
    %get3A_886 = arith.index_cast %get3A_885 : i32 to index
    %get3A_887 = arith.constant 32 : index
    %get3A_888 = tpu.vector_load %arg12[%get3A_886, %get3A_887] {strides = array<i32>} : memref<4x128xi32, #tpu.memory_space<vmem>>, vector<16xi32>,
    %gather3A_889 = tpu.vector_load_idx %arg14[%add3A_884, %get3A_888] : memref<512x128xf32, #tpu.memory_space<vmem>>[vector<16xi32>, vector<16xi32>], vector<16xf32>,
    %swap3A_890 = arith.constant 288 : index
    %swap3A_891 = tpu.vector_load %arg15[%swap3A_890] {strides = array<i32>} : memref<512xf32, #tpu.memory_space<vmem>>, vector<16xf32>,
    tpu.vector_store %arg15[%swap3A_890], %gather3A_889 {strides = array<i32>} : memref<512xf32, #tpu.memory_space<vmem>>, vector<16xf32>,
    %iota3A_892 = tpu.iota {dimensions = array<i32: 0>} : vector<16xi32>
    %add3A_893 = arith.constant 304 : i32
    %add3A_894 = vector.broadcast %add3A_893 : i32 to vector<16xi32>
    %add3A_895 = arith.addi %iota3A_892, %add3A_894 : vector<16xi32>
    %get3A_896 = arith.constant 2 : i32
    %get3A_897 = arith.index_cast %get3A_896 : i32 to index
    %get3A_898 = arith.constant 48 : index
    %get3A_899 = tpu.vector_load %arg12[%get3A_897, %get3A_898] {strides = array<i32>} : memref<4x128xi32, #tpu.memory_space<vmem>>, vector<16xi32>,
    %gather3A_900 = tpu.vector_load_idx %arg14[%add3A_895, %get3A_899] : memref<512x128xf32, #tpu.memory_space<vmem>>[vector<16xi32>, vector<16xi32>], vector<16xf32>,
    %swap3A_901 = arith.constant 304 : index
    %swap3A_902 = tpu.vector_load %arg15[%swap3A_901] {strides = array<i32>} : memref<512xf32, #tpu.memory_space<vmem>>, vector<16xf32>,
    tpu.vector_store %arg15[%swap3A_901], %gather3A_900 {strides = array<i32>} : memref<512xf32, #tpu.memory_space<vmem>>, vector<16xf32>,
    %iota3A_903 = tpu.iota {dimensions = array<i32: 0>} : vector<16xi32>
    %add3A_904 = arith.constant 320 : i32
    %add3A_905 = vector.broadcast %add3A_904 : i32 to vector<16xi32>
    %add3A_906 = arith.addi %iota3A_903, %add3A_905 : vector<16xi32>
    %get3A_907 = arith.constant 2 : i32
    %get3A_908 = arith.index_cast %get3A_907 : i32 to index
    %get3A_909 = arith.constant 64 : index
    %get3A_910 = tpu.vector_load %arg12[%get3A_908, %get3A_909] {strides = array<i32>} : memref<4x128xi32, #tpu.memory_space<vmem>>, vector<16xi32>,
    %gather3A_911 = tpu.vector_load_idx %arg14[%add3A_906, %get3A_910] : memref<512x128xf32, #tpu.memory_space<vmem>>[vector<16xi32>, vector<16xi32>], vector<16xf32>,
    %swap3A_912 = arith.constant 320 : index
    %swap3A_913 = tpu.vector_load %arg15[%swap3A_912] {strides = array<i32>} : memref<512xf32, #tpu.memory_space<vmem>>, vector<16xf32>,
    tpu.vector_store %arg15[%swap3A_912], %gather3A_911 {strides = array<i32>} : memref<512xf32, #tpu.memory_space<vmem>>, vector<16xf32>,
    %iota3A_914 = tpu.iota {dimensions = array<i32: 0>} : vector<16xi32>
    %add3A_915 = arith.constant 336 : i32
    %add3A_916 = vector.broadcast %add3A_915 : i32 to vector<16xi32>
    %add3A_917 = arith.addi %iota3A_914, %add3A_916 : vector<16xi32>
    %get3A_918 = arith.constant 2 : i32
    %get3A_919 = arith.index_cast %get3A_918 : i32 to index
    %get3A_920 = arith.constant 80 : index
    %get3A_921 = tpu.vector_load %arg12[%get3A_919, %get3A_920] {strides = array<i32>} : memref<4x128xi32, #tpu.memory_space<vmem>>, vector<16xi32>,
    %gather3A_922 = tpu.vector_load_idx %arg14[%add3A_917, %get3A_921] : memref<512x128xf32, #tpu.memory_space<vmem>>[vector<16xi32>, vector<16xi32>], vector<16xf32>,
    %swap3A_923 = arith.constant 336 : index
    %swap3A_924 = tpu.vector_load %arg15[%swap3A_923] {strides = array<i32>} : memref<512xf32, #tpu.memory_space<vmem>>, vector<16xf32>,
    tpu.vector_store %arg15[%swap3A_923], %gather3A_922 {strides = array<i32>} : memref<512xf32, #tpu.memory_space<vmem>>, vector<16xf32>,
    %iota3A_925 = tpu.iota {dimensions = array<i32: 0>} : vector<16xi32>
    %add3A_926 = arith.constant 352 : i32
    %add3A_927 = vector.broadcast %add3A_926 : i32 to vector<16xi32>
    %add3A_928 = arith.addi %iota3A_925, %add3A_927 : vector<16xi32>
    %get3A_929 = arith.constant 2 : i32
    %get3A_930 = arith.index_cast %get3A_929 : i32 to index
    %get3A_931 = arith.constant 96 : index
    %get3A_932 = tpu.vector_load %arg12[%get3A_930, %get3A_931] {strides = array<i32>} : memref<4x128xi32, #tpu.memory_space<vmem>>, vector<16xi32>,
    %gather3A_933 = tpu.vector_load_idx %arg14[%add3A_928, %get3A_932] : memref<512x128xf32, #tpu.memory_space<vmem>>[vector<16xi32>, vector<16xi32>], vector<16xf32>,
    %swap3A_934 = arith.constant 352 : index
    %swap3A_935 = tpu.vector_load %arg15[%swap3A_934] {strides = array<i32>} : memref<512xf32, #tpu.memory_space<vmem>>, vector<16xf32>,
    tpu.vector_store %arg15[%swap3A_934], %gather3A_933 {strides = array<i32>} : memref<512xf32, #tpu.memory_space<vmem>>, vector<16xf32>,
    %iota3A_936 = tpu.iota {dimensions = array<i32: 0>} : vector<16xi32>
    %add3A_937 = arith.constant 368 : i32
    %add3A_938 = vector.broadcast %add3A_937 : i32 to vector<16xi32>
    %add3A_939 = arith.addi %iota3A_936, %add3A_938 : vector<16xi32>
    %get3A_940 = arith.constant 2 : i32
    %get3A_941 = arith.index_cast %get3A_940 : i32 to index
    %get3A_942 = arith.constant 112 : index
    %get3A_943 = tpu.vector_load %arg12[%get3A_941, %get3A_942] {strides = array<i32>} : memref<4x128xi32, #tpu.memory_space<vmem>>, vector<16xi32>,
    %gather3A_944 = tpu.vector_load_idx %arg14[%add3A_939, %get3A_943] : memref<512x128xf32, #tpu.memory_space<vmem>>[vector<16xi32>, vector<16xi32>], vector<16xf32>,
    %swap3A_945 = arith.constant 368 : index
    %swap3A_946 = tpu.vector_load %arg15[%swap3A_945] {strides = array<i32>} : memref<512xf32, #tpu.memory_space<vmem>>, vector<16xf32>,
    tpu.vector_store %arg15[%swap3A_945], %gather3A_944 {strides = array<i32>} : memref<512xf32, #tpu.memory_space<vmem>>, vector<16xf32>,
    %dma_wait3A_947 = arith.constant 3 : i32
    %dma_wait3A_948 = arith.constant 384 : i32
    %dma_wait3A_949 = arith.constant 0 : i32
    %dma_wait3A_950 = tpu.memref_slice %arg14[%dma_wait3A_948, %dma_wait3A_949] : memref<512x128xf32, #tpu.memory_space<vmem>> -> memref<128x128xf32, #tpu.memory_space<vmem>>
    %dma_wait3A_951 = arith.constant 0 : i32
    %dma_wait3A_952 = tpu.memref_slice %arg11[%dma_wait3A_947, %dma_wait3A_951] : memref<4x128xi32, #tpu.memory_space<vmem>> -> memref<1x128xi32, #tpu.memory_space<vmem>>
    %dma_wait3A_953 = tpu.memref_squeeze %dma_wait3A_952 : memref<1x128xi32, #tpu.memory_space<vmem>> -> memref<128xi32, #tpu.memory_space<vmem>>
    %dma_wait3A_954 = arith.constant 0 : i32
    %dma_wait3A_955 = arith.constant 0 : i32
    %dma_wait3A_956 = tpu.memref_slice %arg2[%dma_wait3A_954, %dma_wait3A_955] : memref<100000x128xf32, #tpu.memory_space<hbm>> -> memref<100000x128xf32, #tpu.memory_space<hbm>>
    tpu.wait_indirect_dma semaphore(%arg18 : memref<!tpu.dma_semaphore, #tpu.memory_space<semaphore_mem>>) src(%dma_wait3A_956 : memref<100000x128xf32, #tpu.memory_space<hbm>>) dst(%dma_wait3A_950 : memref<128x128xf32, #tpu.memory_space<vmem>>)
    %add3A_957 = arith.constant 384 : i32
    %add3A_958 = arith.addi %mul3A_516, %add3A_957 : i32
    %dma_start3A_959 = arith.constant 384 : i32
    %dma_start3A_960 = arith.constant 0 : i32
    %dma_start3A_961 = tpu.memref_slice %arg14[%dma_start3A_959, %dma_start3A_960] : memref<512x128xf32, #tpu.memory_space<vmem>> -> memref<128x128xf32, #tpu.memory_space<vmem>>
    %dma_start3A_962 = arith.constant 0 : i32
    %dma_start3A_963 = tpu.memref_slice %arg7[%add3A_958, %dma_start3A_962] : memref<16384x128xf32, #tpu.memory_space<hbm>> -> memref<128x128xf32, #tpu.memory_space<hbm>>
    %dma_start3A_964 = arith.constant 0 : i32
    %dma_start3A_965 = tpu.memref_slice %arg7[%add3A_958, %dma_start3A_964] : memref<16384x128xf32, #tpu.memory_space<hbm>> -> memref<128x128xf32, #tpu.memory_space<hbm>>
    %dma_start3A_966 = arith.constant 384 : i32
    %dma_start3A_967 = arith.constant 0 : i32
    %dma_start3A_968 = tpu.memref_slice %arg14[%dma_start3A_966, %dma_start3A_967] : memref<512x128xf32, #tpu.memory_space<vmem>> -> memref<128x128xf32, #tpu.memory_space<vmem>>
    tpu.enqueue_dma source(%dma_start3A_968 : memref<128x128xf32, #tpu.memory_space<vmem>>) target(%dma_start3A_965 : memref<128x128xf32, #tpu.memory_space<hbm>>) target_semaphore(%arg20 : memref<!tpu.dma_semaphore, #tpu.memory_space<semaphore_mem>>)
    %iota3A_969 = tpu.iota {dimensions = array<i32: 0>} : vector<16xi32>
    %add3A_970 = arith.constant 384 : i32
    %add3A_971 = vector.broadcast %add3A_970 : i32 to vector<16xi32>
    %add3A_972 = arith.addi %iota3A_969, %add3A_971 : vector<16xi32>
    %get3A_973 = arith.constant 3 : i32
    %get3A_974 = arith.index_cast %get3A_973 : i32 to index
    %get3A_975 = arith.constant 0 : index
    %get3A_976 = tpu.vector_load %arg12[%get3A_974, %get3A_975] {strides = array<i32>} : memref<4x128xi32, #tpu.memory_space<vmem>>, vector<16xi32>,
    %gather3A_977 = tpu.vector_load_idx %arg14[%add3A_972, %get3A_976] : memref<512x128xf32, #tpu.memory_space<vmem>>[vector<16xi32>, vector<16xi32>], vector<16xf32>,
    %swap3A_978 = arith.constant 384 : index
    %swap3A_979 = tpu.vector_load %arg15[%swap3A_978] {strides = array<i32>} : memref<512xf32, #tpu.memory_space<vmem>>, vector<16xf32>,
    tpu.vector_store %arg15[%swap3A_978], %gather3A_977 {strides = array<i32>} : memref<512xf32, #tpu.memory_space<vmem>>, vector<16xf32>,
    %iota3A_980 = tpu.iota {dimensions = array<i32: 0>} : vector<16xi32>
    %add3A_981 = arith.constant 400 : i32
    %add3A_982 = vector.broadcast %add3A_981 : i32 to vector<16xi32>
    %add3A_983 = arith.addi %iota3A_980, %add3A_982 : vector<16xi32>
    %get3A_984 = arith.constant 3 : i32
    %get3A_985 = arith.index_cast %get3A_984 : i32 to index
    %get3A_986 = arith.constant 16 : index
    %get3A_987 = tpu.vector_load %arg12[%get3A_985, %get3A_986] {strides = array<i32>} : memref<4x128xi32, #tpu.memory_space<vmem>>, vector<16xi32>,
    %gather3A_988 = tpu.vector_load_idx %arg14[%add3A_983, %get3A_987] : memref<512x128xf32, #tpu.memory_space<vmem>>[vector<16xi32>, vector<16xi32>], vector<16xf32>,
    %swap3A_989 = arith.constant 400 : index
    %swap3A_990 = tpu.vector_load %arg15[%swap3A_989] {strides = array<i32>} : memref<512xf32, #tpu.memory_space<vmem>>, vector<16xf32>,
    tpu.vector_store %arg15[%swap3A_989], %gather3A_988 {strides = array<i32>} : memref<512xf32, #tpu.memory_space<vmem>>, vector<16xf32>,
    %iota3A_991 = tpu.iota {dimensions = array<i32: 0>} : vector<16xi32>
    %add3A_992 = arith.constant 416 : i32
    %add3A_993 = vector.broadcast %add3A_992 : i32 to vector<16xi32>
    %add3A_994 = arith.addi %iota3A_991, %add3A_993 : vector<16xi32>
    %get3A_995 = arith.constant 3 : i32
    %get3A_996 = arith.index_cast %get3A_995 : i32 to index
    %get3A_997 = arith.constant 32 : index
    %get3A_998 = tpu.vector_load %arg12[%get3A_996, %get3A_997] {strides = array<i32>} : memref<4x128xi32, #tpu.memory_space<vmem>>, vector<16xi32>,
    %gather3A_999 = tpu.vector_load_idx %arg14[%add3A_994, %get3A_998] : memref<512x128xf32, #tpu.memory_space<vmem>>[vector<16xi32>, vector<16xi32>], vector<16xf32>,
    %swap3A_1000 = arith.constant 416 : index
    %swap3A_1001 = tpu.vector_load %arg15[%swap3A_1000] {strides = array<i32>} : memref<512xf32, #tpu.memory_space<vmem>>, vector<16xf32>,
    tpu.vector_store %arg15[%swap3A_1000], %gather3A_999 {strides = array<i32>} : memref<512xf32, #tpu.memory_space<vmem>>, vector<16xf32>,
    %iota3A_1002 = tpu.iota {dimensions = array<i32: 0>} : vector<16xi32>
    %add3A_1003 = arith.constant 432 : i32
    %add3A_1004 = vector.broadcast %add3A_1003 : i32 to vector<16xi32>
    %add3A_1005 = arith.addi %iota3A_1002, %add3A_1004 : vector<16xi32>
    %get3A_1006 = arith.constant 3 : i32
    %get3A_1007 = arith.index_cast %get3A_1006 : i32 to index
    %get3A_1008 = arith.constant 48 : index
    %get3A_1009 = tpu.vector_load %arg12[%get3A_1007, %get3A_1008] {strides = array<i32>} : memref<4x128xi32, #tpu.memory_space<vmem>>, vector<16xi32>,
    %gather3A_1010 = tpu.vector_load_idx %arg14[%add3A_1005, %get3A_1009] : memref<512x128xf32, #tpu.memory_space<vmem>>[vector<16xi32>, vector<16xi32>], vector<16xf32>,
    %swap3A_1011 = arith.constant 432 : index
    %swap3A_1012 = tpu.vector_load %arg15[%swap3A_1011] {strides = array<i32>} : memref<512xf32, #tpu.memory_space<vmem>>, vector<16xf32>,
    tpu.vector_store %arg15[%swap3A_1011], %gather3A_1010 {strides = array<i32>} : memref<512xf32, #tpu.memory_space<vmem>>, vector<16xf32>,
    %iota3A_1013 = tpu.iota {dimensions = array<i32: 0>} : vector<16xi32>
    %add3A_1014 = arith.constant 448 : i32
    %add3A_1015 = vector.broadcast %add3A_1014 : i32 to vector<16xi32>
    %add3A_1016 = arith.addi %iota3A_1013, %add3A_1015 : vector<16xi32>
    %get3A_1017 = arith.constant 3 : i32
    %get3A_1018 = arith.index_cast %get3A_1017 : i32 to index
    %get3A_1019 = arith.constant 64 : index
    %get3A_1020 = tpu.vector_load %arg12[%get3A_1018, %get3A_1019] {strides = array<i32>} : memref<4x128xi32, #tpu.memory_space<vmem>>, vector<16xi32>,
    %gather3A_1021 = tpu.vector_load_idx %arg14[%add3A_1016, %get3A_1020] : memref<512x128xf32, #tpu.memory_space<vmem>>[vector<16xi32>, vector<16xi32>], vector<16xf32>,
    %swap3A_1022 = arith.constant 448 : index
    %swap3A_1023 = tpu.vector_load %arg15[%swap3A_1022] {strides = array<i32>} : memref<512xf32, #tpu.memory_space<vmem>>, vector<16xf32>,
    tpu.vector_store %arg15[%swap3A_1022], %gather3A_1021 {strides = array<i32>} : memref<512xf32, #tpu.memory_space<vmem>>, vector<16xf32>,
    %iota3A_1024 = tpu.iota {dimensions = array<i32: 0>} : vector<16xi32>
    %add3A_1025 = arith.constant 464 : i32
    %add3A_1026 = vector.broadcast %add3A_1025 : i32 to vector<16xi32>
    %add3A_1027 = arith.addi %iota3A_1024, %add3A_1026 : vector<16xi32>
    %get3A_1028 = arith.constant 3 : i32
    %get3A_1029 = arith.index_cast %get3A_1028 : i32 to index
    %get3A_1030 = arith.constant 80 : index
    %get3A_1031 = tpu.vector_load %arg12[%get3A_1029, %get3A_1030] {strides = array<i32>} : memref<4x128xi32, #tpu.memory_space<vmem>>, vector<16xi32>,
    %gather3A_1032 = tpu.vector_load_idx %arg14[%add3A_1027, %get3A_1031] : memref<512x128xf32, #tpu.memory_space<vmem>>[vector<16xi32>, vector<16xi32>], vector<16xf32>,
    %swap3A_1033 = arith.constant 464 : index
    %swap3A_1034 = tpu.vector_load %arg15[%swap3A_1033] {strides = array<i32>} : memref<512xf32, #tpu.memory_space<vmem>>, vector<16xf32>,
    tpu.vector_store %arg15[%swap3A_1033], %gather3A_1032 {strides = array<i32>} : memref<512xf32, #tpu.memory_space<vmem>>, vector<16xf32>,
    %iota3A_1035 = tpu.iota {dimensions = array<i32: 0>} : vector<16xi32>
    %add3A_1036 = arith.constant 480 : i32
    %add3A_1037 = vector.broadcast %add3A_1036 : i32 to vector<16xi32>
    %add3A_1038 = arith.addi %iota3A_1035, %add3A_1037 : vector<16xi32>
    %get3A_1039 = arith.constant 3 : i32
    %get3A_1040 = arith.index_cast %get3A_1039 : i32 to index
    %get3A_1041 = arith.constant 96 : index
    %get3A_1042 = tpu.vector_load %arg12[%get3A_1040, %get3A_1041] {strides = array<i32>} : memref<4x128xi32, #tpu.memory_space<vmem>>, vector<16xi32>,
    %gather3A_1043 = tpu.vector_load_idx %arg14[%add3A_1038, %get3A_1042] : memref<512x128xf32, #tpu.memory_space<vmem>>[vector<16xi32>, vector<16xi32>], vector<16xf32>,
    %swap3A_1044 = arith.constant 480 : index
    %swap3A_1045 = tpu.vector_load %arg15[%swap3A_1044] {strides = array<i32>} : memref<512xf32, #tpu.memory_space<vmem>>, vector<16xf32>,
    tpu.vector_store %arg15[%swap3A_1044], %gather3A_1043 {strides = array<i32>} : memref<512xf32, #tpu.memory_space<vmem>>, vector<16xf32>,
    %iota3A_1046 = tpu.iota {dimensions = array<i32: 0>} : vector<16xi32>
    %add3A_1047 = arith.constant 496 : i32
    %add3A_1048 = vector.broadcast %add3A_1047 : i32 to vector<16xi32>
    %add3A_1049 = arith.addi %iota3A_1046, %add3A_1048 : vector<16xi32>
    %get3A_1050 = arith.constant 3 : i32
    %get3A_1051 = arith.index_cast %get3A_1050 : i32 to index
    %get3A_1052 = arith.constant 112 : index
    %get3A_1053 = tpu.vector_load %arg12[%get3A_1051, %get3A_1052] {strides = array<i32>} : memref<4x128xi32, #tpu.memory_space<vmem>>, vector<16xi32>,
    %gather3A_1054 = tpu.vector_load_idx %arg14[%add3A_1049, %get3A_1053] : memref<512x128xf32, #tpu.memory_space<vmem>>[vector<16xi32>, vector<16xi32>], vector<16xf32>,
    %swap3A_1055 = arith.constant 496 : index
    %swap3A_1056 = tpu.vector_load %arg15[%swap3A_1055] {strides = array<i32>} : memref<512xf32, #tpu.memory_space<vmem>>, vector<16xf32>,
    tpu.vector_store %arg15[%swap3A_1055], %gather3A_1054 {strides = array<i32>} : memref<512xf32, #tpu.memory_space<vmem>>, vector<16xf32>,
    %dma_wait3A_1057 = arith.constant 0 : i32
    %dma_wait3A_1058 = arith.constant 0 : i32
    %dma_wait3A_1059 = tpu.memref_slice %arg16[%dma_wait3A_1058] : memref<512xf32, #tpu.memory_space<vmem>> -> memref<128xf32, #tpu.memory_space<vmem>>
    %dma_wait3A_1060 = arith.constant 0 : i32
    %dma_wait3A_1061 = tpu.memref_slice %arg13[%dma_wait3A_1057, %dma_wait3A_1060] : memref<4x128xi32, #tpu.memory_space<vmem>> -> memref<1x128xi32, #tpu.memory_space<vmem>>
    %dma_wait3A_1062 = tpu.memref_squeeze %dma_wait3A_1061 : memref<1x128xi32, #tpu.memory_space<vmem>> -> memref<128xi32, #tpu.memory_space<vmem>>
    %dma_wait3A_1063 = arith.constant 0 : i32
    %dma_wait3A_1064 = tpu.memref_slice %arg3[%dma_wait3A_1063] : memref<12800000xf32, #tpu.memory_space<hbm>> -> memref<12800000xf32, #tpu.memory_space<hbm>>
    tpu.wait_indirect_dma semaphore(%arg19 : memref<!tpu.dma_semaphore, #tpu.memory_space<semaphore_mem>>) src(%dma_wait3A_1064 : memref<12800000xf32, #tpu.memory_space<hbm>>) dst(%dma_wait3A_1059 : memref<128xf32, #tpu.memory_space<vmem>>)
    %dma_wait3A_1065 = arith.constant 0 : i32
    %dma_wait3A_1066 = arith.constant 0 : i32
    %dma_wait3A_1067 = tpu.memref_slice %arg17[%dma_wait3A_1066] : memref<512xf32, #tpu.memory_space<vmem>> -> memref<128xf32, #tpu.memory_space<vmem>>
    %dma_wait3A_1068 = arith.constant 0 : i32
    %dma_wait3A_1069 = tpu.memref_slice %arg13[%dma_wait3A_1065, %dma_wait3A_1068] : memref<4x128xi32, #tpu.memory_space<vmem>> -> memref<1x128xi32, #tpu.memory_space<vmem>>
    %dma_wait3A_1070 = tpu.memref_squeeze %dma_wait3A_1069 : memref<1x128xi32, #tpu.memory_space<vmem>> -> memref<128xi32, #tpu.memory_space<vmem>>
    %dma_wait3A_1071 = arith.constant 0 : i32
    %dma_wait3A_1072 = tpu.memref_slice %arg4[%dma_wait3A_1071] : memref<12800000xf32, #tpu.memory_space<hbm>> -> memref<12800000xf32, #tpu.memory_space<hbm>>
    tpu.wait_indirect_dma semaphore(%arg19 : memref<!tpu.dma_semaphore, #tpu.memory_space<semaphore_mem>>) src(%dma_wait3A_1072 : memref<12800000xf32, #tpu.memory_space<hbm>>) dst(%dma_wait3A_1067 : memref<128xf32, #tpu.memory_space<vmem>>)
    %dma_wait3A_1073 = arith.constant 1 : i32
    %dma_wait3A_1074 = arith.constant 128 : i32
    %dma_wait3A_1075 = tpu.memref_slice %arg16[%dma_wait3A_1074] : memref<512xf32, #tpu.memory_space<vmem>> -> memref<128xf32, #tpu.memory_space<vmem>>
    %dma_wait3A_1076 = arith.constant 0 : i32
    %dma_wait3A_1077 = tpu.memref_slice %arg13[%dma_wait3A_1073, %dma_wait3A_1076] : memref<4x128xi32, #tpu.memory_space<vmem>> -> memref<1x128xi32, #tpu.memory_space<vmem>>
    %dma_wait3A_1078 = tpu.memref_squeeze %dma_wait3A_1077 : memref<1x128xi32, #tpu.memory_space<vmem>> -> memref<128xi32, #tpu.memory_space<vmem>>
    %dma_wait3A_1079 = arith.constant 0 : i32
    %dma_wait3A_1080 = tpu.memref_slice %arg3[%dma_wait3A_1079] : memref<12800000xf32, #tpu.memory_space<hbm>> -> memref<12800000xf32, #tpu.memory_space<hbm>>
    tpu.wait_indirect_dma semaphore(%arg19 : memref<!tpu.dma_semaphore, #tpu.memory_space<semaphore_mem>>) src(%dma_wait3A_1080 : memref<12800000xf32, #tpu.memory_space<hbm>>) dst(%dma_wait3A_1075 : memref<128xf32, #tpu.memory_space<vmem>>)
    %dma_wait3A_1081 = arith.constant 1 : i32
    %dma_wait3A_1082 = arith.constant 128 : i32
    %dma_wait3A_1083 = tpu.memref_slice %arg17[%dma_wait3A_1082] : memref<512xf32, #tpu.memory_space<vmem>> -> memref<128xf32, #tpu.memory_space<vmem>>
    %dma_wait3A_1084 = arith.constant 0 : i32
    %dma_wait3A_1085 = tpu.memref_slice %arg13[%dma_wait3A_1081, %dma_wait3A_1084] : memref<4x128xi32, #tpu.memory_space<vmem>> -> memref<1x128xi32, #tpu.memory_space<vmem>>
    %dma_wait3A_1086 = tpu.memref_squeeze %dma_wait3A_1085 : memref<1x128xi32, #tpu.memory_space<vmem>> -> memref<128xi32, #tpu.memory_space<vmem>>
    %dma_wait3A_1087 = arith.constant 0 : i32
    %dma_wait3A_1088 = tpu.memref_slice %arg4[%dma_wait3A_1087] : memref<12800000xf32, #tpu.memory_space<hbm>> -> memref<12800000xf32, #tpu.memory_space<hbm>>
    tpu.wait_indirect_dma semaphore(%arg19 : memref<!tpu.dma_semaphore, #tpu.memory_space<semaphore_mem>>) src(%dma_wait3A_1088 : memref<12800000xf32, #tpu.memory_space<hbm>>) dst(%dma_wait3A_1083 : memref<128xf32, #tpu.memory_space<vmem>>)
    %dma_wait3A_1089 = arith.constant 2 : i32
    %dma_wait3A_1090 = arith.constant 256 : i32
    %dma_wait3A_1091 = tpu.memref_slice %arg16[%dma_wait3A_1090] : memref<512xf32, #tpu.memory_space<vmem>> -> memref<128xf32, #tpu.memory_space<vmem>>
    %dma_wait3A_1092 = arith.constant 0 : i32
    %dma_wait3A_1093 = tpu.memref_slice %arg13[%dma_wait3A_1089, %dma_wait3A_1092] : memref<4x128xi32, #tpu.memory_space<vmem>> -> memref<1x128xi32, #tpu.memory_space<vmem>>
    %dma_wait3A_1094 = tpu.memref_squeeze %dma_wait3A_1093 : memref<1x128xi32, #tpu.memory_space<vmem>> -> memref<128xi32, #tpu.memory_space<vmem>>
    %dma_wait3A_1095 = arith.constant 0 : i32
    %dma_wait3A_1096 = tpu.memref_slice %arg3[%dma_wait3A_1095] : memref<12800000xf32, #tpu.memory_space<hbm>> -> memref<12800000xf32, #tpu.memory_space<hbm>>
    tpu.wait_indirect_dma semaphore(%arg19 : memref<!tpu.dma_semaphore, #tpu.memory_space<semaphore_mem>>) src(%dma_wait3A_1096 : memref<12800000xf32, #tpu.memory_space<hbm>>) dst(%dma_wait3A_1091 : memref<128xf32, #tpu.memory_space<vmem>>)
    %dma_wait3A_1097 = arith.constant 2 : i32
    %dma_wait3A_1098 = arith.constant 256 : i32
    %dma_wait3A_1099 = tpu.memref_slice %arg17[%dma_wait3A_1098] : memref<512xf32, #tpu.memory_space<vmem>> -> memref<128xf32, #tpu.memory_space<vmem>>
    %dma_wait3A_1100 = arith.constant 0 : i32
    %dma_wait3A_1101 = tpu.memref_slice %arg13[%dma_wait3A_1097, %dma_wait3A_1100] : memref<4x128xi32, #tpu.memory_space<vmem>> -> memref<1x128xi32, #tpu.memory_space<vmem>>
    %dma_wait3A_1102 = tpu.memref_squeeze %dma_wait3A_1101 : memref<1x128xi32, #tpu.memory_space<vmem>> -> memref<128xi32, #tpu.memory_space<vmem>>
    %dma_wait3A_1103 = arith.constant 0 : i32
    %dma_wait3A_1104 = tpu.memref_slice %arg4[%dma_wait3A_1103] : memref<12800000xf32, #tpu.memory_space<hbm>> -> memref<12800000xf32, #tpu.memory_space<hbm>>
    tpu.wait_indirect_dma semaphore(%arg19 : memref<!tpu.dma_semaphore, #tpu.memory_space<semaphore_mem>>) src(%dma_wait3A_1104 : memref<12800000xf32, #tpu.memory_space<hbm>>) dst(%dma_wait3A_1099 : memref<128xf32, #tpu.memory_space<vmem>>)
    %dma_wait3A_1105 = arith.constant 3 : i32
    %dma_wait3A_1106 = arith.constant 384 : i32
    %dma_wait3A_1107 = tpu.memref_slice %arg16[%dma_wait3A_1106] : memref<512xf32, #tpu.memory_space<vmem>> -> memref<128xf32, #tpu.memory_space<vmem>>
    %dma_wait3A_1108 = arith.constant 0 : i32
    %dma_wait3A_1109 = tpu.memref_slice %arg13[%dma_wait3A_1105, %dma_wait3A_1108] : memref<4x128xi32, #tpu.memory_space<vmem>> -> memref<1x128xi32, #tpu.memory_space<vmem>>
    %dma_wait3A_1110 = tpu.memref_squeeze %dma_wait3A_1109 : memref<1x128xi32, #tpu.memory_space<vmem>> -> memref<128xi32, #tpu.memory_space<vmem>>
    %dma_wait3A_1111 = arith.constant 0 : i32
    %dma_wait3A_1112 = tpu.memref_slice %arg3[%dma_wait3A_1111] : memref<12800000xf32, #tpu.memory_space<hbm>> -> memref<12800000xf32, #tpu.memory_space<hbm>>
    tpu.wait_indirect_dma semaphore(%arg19 : memref<!tpu.dma_semaphore, #tpu.memory_space<semaphore_mem>>) src(%dma_wait3A_1112 : memref<12800000xf32, #tpu.memory_space<hbm>>) dst(%dma_wait3A_1107 : memref<128xf32, #tpu.memory_space<vmem>>)
    %dma_wait3A_1113 = arith.constant 3 : i32
    %dma_wait3A_1114 = arith.constant 384 : i32
    %dma_wait3A_1115 = tpu.memref_slice %arg17[%dma_wait3A_1114] : memref<512xf32, #tpu.memory_space<vmem>> -> memref<128xf32, #tpu.memory_space<vmem>>
    %dma_wait3A_1116 = arith.constant 0 : i32
    %dma_wait3A_1117 = tpu.memref_slice %arg13[%dma_wait3A_1113, %dma_wait3A_1116] : memref<4x128xi32, #tpu.memory_space<vmem>> -> memref<1x128xi32, #tpu.memory_space<vmem>>
    %dma_wait3A_1118 = tpu.memref_squeeze %dma_wait3A_1117 : memref<1x128xi32, #tpu.memory_space<vmem>> -> memref<128xi32, #tpu.memory_space<vmem>>
    %dma_wait3A_1119 = arith.constant 0 : i32
    %dma_wait3A_1120 = tpu.memref_slice %arg4[%dma_wait3A_1119] : memref<12800000xf32, #tpu.memory_space<hbm>> -> memref<12800000xf32, #tpu.memory_space<hbm>>
    tpu.wait_indirect_dma semaphore(%arg19 : memref<!tpu.dma_semaphore, #tpu.memory_space<semaphore_mem>>) src(%dma_wait3A_1120 : memref<12800000xf32, #tpu.memory_space<hbm>>) dst(%dma_wait3A_1115 : memref<128xf32, #tpu.memory_space<vmem>>)
    "tpu.region"() ({
      %run_scoped3A = tpu.sem_alloc : memref<!tpu.dma_semaphore, #tpu.memory_space<semaphore_mem>>
      %dma_start3A_1161 = tpu.memref_slice %arg8[%mul3A_516] : memref<16384xf32, #tpu.memory_space<hbm>> -> memref<512xf32, #tpu.memory_space<hbm>>
      %dma_start3A_1162 = tpu.memref_slice %arg8[%mul3A_516] : memref<16384xf32, #tpu.memory_space<hbm>> -> memref<512xf32, #tpu.memory_space<hbm>>
      tpu.enqueue_dma source(%arg15 : memref<512xf32, #tpu.memory_space<vmem>>) target(%dma_start3A_1162 : memref<512xf32, #tpu.memory_space<hbm>>) target_semaphore(%run_scoped3A : memref<!tpu.dma_semaphore, #tpu.memory_space<semaphore_mem>>)
      %dma_wait3A_1163 = tpu.memref_slice %arg8[%mul3A_516] : memref<16384xf32, #tpu.memory_space<hbm>> -> memref<512xf32, #tpu.memory_space<hbm>>
      %dma_wait3A_1164 = tpu.memref_slice %arg8[%mul3A_516] : memref<16384xf32, #tpu.memory_space<hbm>> -> memref<512xf32, #tpu.memory_space<hbm>>
      tpu.wait_dma2 semaphore(%run_scoped3A : memref<!tpu.dma_semaphore, #tpu.memory_space<semaphore_mem>>) src(%arg15 : memref<512xf32, #tpu.memory_space<vmem>>) dst(%dma_wait3A_1164 : memref<512xf32, #tpu.memory_space<hbm>>)
      tpu.yield
    }) : () -> ()
    "tpu.region"() ({
      %run_scoped3A = tpu.sem_alloc : memref<!tpu.dma_semaphore, #tpu.memory_space<semaphore_mem>>
      %dma_start3A_1161 = tpu.memref_slice %arg9[%mul3A_516] : memref<16384xf32, #tpu.memory_space<hbm>> -> memref<512xf32, #tpu.memory_space<hbm>>
      %dma_start3A_1162 = tpu.memref_slice %arg9[%mul3A_516] : memref<16384xf32, #tpu.memory_space<hbm>> -> memref<512xf32, #tpu.memory_space<hbm>>
      tpu.enqueue_dma source(%arg16 : memref<512xf32, #tpu.memory_space<vmem>>) target(%dma_start3A_1162 : memref<512xf32, #tpu.memory_space<hbm>>) target_semaphore(%run_scoped3A : memref<!tpu.dma_semaphore, #tpu.memory_space<semaphore_mem>>)
      %dma_wait3A_1163 = tpu.memref_slice %arg9[%mul3A_516] : memref<16384xf32, #tpu.memory_space<hbm>> -> memref<512xf32, #tpu.memory_space<hbm>>
      %dma_wait3A_1164 = tpu.memref_slice %arg9[%mul3A_516] : memref<16384xf32, #tpu.memory_space<hbm>> -> memref<512xf32, #tpu.memory_space<hbm>>
      tpu.wait_dma2 semaphore(%run_scoped3A : memref<!tpu.dma_semaphore, #tpu.memory_space<semaphore_mem>>) src(%arg16 : memref<512xf32, #tpu.memory_space<vmem>>) dst(%dma_wait3A_1164 : memref<512xf32, #tpu.memory_space<hbm>>)
      tpu.yield
    }) : () -> ()
    "tpu.region"() ({
      %run_scoped3A = tpu.sem_alloc : memref<!tpu.dma_semaphore, #tpu.memory_space<semaphore_mem>>
      %dma_start3A_1161 = tpu.memref_slice %arg10[%mul3A_516] : memref<16384xf32, #tpu.memory_space<hbm>> -> memref<512xf32, #tpu.memory_space<hbm>>
      %dma_start3A_1162 = tpu.memref_slice %arg10[%mul3A_516] : memref<16384xf32, #tpu.memory_space<hbm>> -> memref<512xf32, #tpu.memory_space<hbm>>
      tpu.enqueue_dma source(%arg17 : memref<512xf32, #tpu.memory_space<vmem>>) target(%dma_start3A_1162 : memref<512xf32, #tpu.memory_space<hbm>>) target_semaphore(%run_scoped3A : memref<!tpu.dma_semaphore, #tpu.memory_space<semaphore_mem>>)
      %dma_wait3A_1163 = tpu.memref_slice %arg10[%mul3A_516] : memref<16384xf32, #tpu.memory_space<hbm>> -> memref<512xf32, #tpu.memory_space<hbm>>
      %dma_wait3A_1164 = tpu.memref_slice %arg10[%mul3A_516] : memref<16384xf32, #tpu.memory_space<hbm>> -> memref<512xf32, #tpu.memory_space<hbm>>
      tpu.wait_dma2 semaphore(%run_scoped3A : memref<!tpu.dma_semaphore, #tpu.memory_space<semaphore_mem>>) src(%arg17 : memref<512xf32, #tpu.memory_space<vmem>>) dst(%dma_wait3A_1164 : memref<512xf32, #tpu.memory_space<hbm>>)
      tpu.yield
    }) : () -> ()
    %dma_wait3A_1121 = arith.constant 0 : i32
    %dma_wait3A_1122 = arith.constant 0 : i32
    %dma_wait3A_1123 = tpu.memref_slice %arg14[%dma_wait3A_1121, %dma_wait3A_1122] : memref<512x128xf32, #tpu.memory_space<vmem>> -> memref<128x128xf32, #tpu.memory_space<vmem>>
    %dma_wait3A_1124 = arith.constant 0 : i32
    %dma_wait3A_1125 = tpu.memref_slice %arg7[%add3A_630, %dma_wait3A_1124] : memref<16384x128xf32, #tpu.memory_space<hbm>> -> memref<128x128xf32, #tpu.memory_space<hbm>>
    %dma_wait3A_1126 = arith.constant 0 : i32
    %dma_wait3A_1127 = tpu.memref_slice %arg7[%add3A_630, %dma_wait3A_1126] : memref<16384x128xf32, #tpu.memory_space<hbm>> -> memref<128x128xf32, #tpu.memory_space<hbm>>
    %dma_wait3A_1128 = arith.constant 0 : i32
    %dma_wait3A_1129 = arith.constant 0 : i32
    %dma_wait3A_1130 = tpu.memref_slice %arg14[%dma_wait3A_1128, %dma_wait3A_1129] : memref<512x128xf32, #tpu.memory_space<vmem>> -> memref<128x128xf32, #tpu.memory_space<vmem>>
    tpu.wait_dma2 semaphore(%arg20 : memref<!tpu.dma_semaphore, #tpu.memory_space<semaphore_mem>>) src(%dma_wait3A_1130 : memref<128x128xf32, #tpu.memory_space<vmem>>) dst(%dma_wait3A_1127 : memref<128x128xf32, #tpu.memory_space<hbm>>)
    %dma_wait3A_1131 = arith.constant 128 : i32
    %dma_wait3A_1132 = arith.constant 0 : i32
    %dma_wait3A_1133 = tpu.memref_slice %arg14[%dma_wait3A_1131, %dma_wait3A_1132] : memref<512x128xf32, #tpu.memory_space<vmem>> -> memref<128x128xf32, #tpu.memory_space<vmem>>
    %dma_wait3A_1134 = arith.constant 0 : i32
    %dma_wait3A_1135 = tpu.memref_slice %arg7[%add3A_738, %dma_wait3A_1134] : memref<16384x128xf32, #tpu.memory_space<hbm>> -> memref<128x128xf32, #tpu.memory_space<hbm>>
    %dma_wait3A_1136 = arith.constant 0 : i32
    %dma_wait3A_1137 = tpu.memref_slice %arg7[%add3A_738, %dma_wait3A_1136] : memref<16384x128xf32, #tpu.memory_space<hbm>> -> memref<128x128xf32, #tpu.memory_space<hbm>>
    %dma_wait3A_1138 = arith.constant 128 : i32
    %dma_wait3A_1139 = arith.constant 0 : i32
    %dma_wait3A_1140 = tpu.memref_slice %arg14[%dma_wait3A_1138, %dma_wait3A_1139] : memref<512x128xf32, #tpu.memory_space<vmem>> -> memref<128x128xf32, #tpu.memory_space<vmem>>
    tpu.wait_dma2 semaphore(%arg20 : memref<!tpu.dma_semaphore, #tpu.memory_space<semaphore_mem>>) src(%dma_wait3A_1140 : memref<128x128xf32, #tpu.memory_space<vmem>>) dst(%dma_wait3A_1137 : memref<128x128xf32, #tpu.memory_space<hbm>>)
    %dma_wait3A_1141 = arith.constant 256 : i32
    %dma_wait3A_1142 = arith.constant 0 : i32
    %dma_wait3A_1143 = tpu.memref_slice %arg14[%dma_wait3A_1141, %dma_wait3A_1142] : memref<512x128xf32, #tpu.memory_space<vmem>> -> memref<128x128xf32, #tpu.memory_space<vmem>>
    %dma_wait3A_1144 = arith.constant 0 : i32
    %dma_wait3A_1145 = tpu.memref_slice %arg7[%add3A_848, %dma_wait3A_1144] : memref<16384x128xf32, #tpu.memory_space<hbm>> -> memref<128x128xf32, #tpu.memory_space<hbm>>
    %dma_wait3A_1146 = arith.constant 0 : i32
    %dma_wait3A_1147 = tpu.memref_slice %arg7[%add3A_848, %dma_wait3A_1146] : memref<16384x128xf32, #tpu.memory_space<hbm>> -> memref<128x128xf32, #tpu.memory_space<hbm>>
    %dma_wait3A_1148 = arith.constant 256 : i32
    %dma_wait3A_1149 = arith.constant 0 : i32
    %dma_wait3A_1150 = tpu.memref_slice %arg14[%dma_wait3A_1148, %dma_wait3A_1149] : memref<512x128xf32, #tpu.memory_space<vmem>> -> memref<128x128xf32, #tpu.memory_space<vmem>>
    tpu.wait_dma2 semaphore(%arg20 : memref<!tpu.dma_semaphore, #tpu.memory_space<semaphore_mem>>) src(%dma_wait3A_1150 : memref<128x128xf32, #tpu.memory_space<vmem>>) dst(%dma_wait3A_1147 : memref<128x128xf32, #tpu.memory_space<hbm>>)
    %dma_wait3A_1151 = arith.constant 384 : i32
    %dma_wait3A_1152 = arith.constant 0 : i32
    %dma_wait3A_1153 = tpu.memref_slice %arg14[%dma_wait3A_1151, %dma_wait3A_1152] : memref<512x128xf32, #tpu.memory_space<vmem>> -> memref<128x128xf32, #tpu.memory_space<vmem>>
    %dma_wait3A_1154 = arith.constant 0 : i32
    %dma_wait3A_1155 = tpu.memref_slice %arg7[%add3A_958, %dma_wait3A_1154] : memref<16384x128xf32, #tpu.memory_space<hbm>> -> memref<128x128xf32, #tpu.memory_space<hbm>>
    %dma_wait3A_1156 = arith.constant 0 : i32
    %dma_wait3A_1157 = tpu.memref_slice %arg7[%add3A_958, %dma_wait3A_1156] : memref<16384x128xf32, #tpu.memory_space<hbm>> -> memref<128x128xf32, #tpu.memory_space<hbm>>
    %dma_wait3A_1158 = arith.constant 384 : i32
    %dma_wait3A_1159 = arith.constant 0 : i32
    %dma_wait3A_1160 = tpu.memref_slice %arg14[%dma_wait3A_1158, %dma_wait3A_1159] : memref<512x128xf32, #tpu.memory_space<vmem>> -> memref<128x128xf32, #tpu.memory_space<vmem>>
    tpu.wait_dma2 semaphore(%arg20 : memref<!tpu.dma_semaphore, #tpu.memory_space<semaphore_mem>>) src(%dma_wait3A_1160 : memref<128x128xf32, #tpu.memory_space<vmem>>) dst(%dma_wait3A_1157 : memref<128x128xf32, #tpu.memory_space<hbm>>)
    return
  }
}

module attributes {stable_mosaic.version = 14 : i64} {
  func.func @_tc_body(%arg0: i32, %arg1: memref<4096x128xf32, #tpu.memory_space<vmem>>, %arg2: memref<128x128xf32, #tpu.memory_space<vmem>>, %arg3: memref<128x128xf32, #tpu.memory_space<vmem>>, %arg4: memref<128x128xf32, #tpu.memory_space<vmem>>, %arg5: memref<128x128xf32, #tpu.memory_space<vmem>>, %arg6: memref<128x128xf32, #tpu.memory_space<vmem>>, %arg7: memref<128x128xf32, #tpu.memory_space<vmem>>) attributes {dimension_semantics = [#tpu.dimension_semantics<arbitrary>], iteration_bounds = array<i64: 4>, scalar_prefetch = 0 : i64, scratch_operands = 1 : i64, tpu.core_type = #tpu.core_type<tc>, window_params = [{transform_indices = @transform_0, window_bounds = array<i64: 4096, 128>}, {pipeline_mode = #tpu.pipeline_mode<synchronous>, transform_indices = @transform_1, window_bounds = array<i64: 128, 128>}, {pipeline_mode = #tpu.pipeline_mode<synchronous>, transform_indices = @transform_2, window_bounds = array<i64: 128, 128>}, {pipeline_mode = #tpu.pipeline_mode<synchronous>, transform_indices = @transform_3, window_bounds = array<i64: 128, 128>}, {pipeline_mode = #tpu.pipeline_mode<synchronous>, transform_indices = @transform_4, window_bounds = array<i64: 128, 128>}, {pipeline_mode = #tpu.pipeline_mode<synchronous>, transform_indices = @transform_5, window_bounds = array<i64: 128, 128>}]} {
    %get3A = arith.constant 0 : index
    %get3A_0 = arith.constant 0 : index
    %get3A_1 = vector.load %arg1[%get3A, %get3A_0] : memref<4096x128xf32, #tpu.memory_space<vmem>>, vector<4096x128xf32>
    %reshape3A = vector.shape_cast %get3A_1 : vector<4096x128xf32> to vector<32x128x128xf32>
    %reduce_max3A = arith.constant dense<0xFF800000> : vector<32x128xf32>
    %reduce_max3A_2 = vector.multi_reduction <maximumf>, %reshape3A, %reduce_max3A [2] : vector<32x128x128xf32> to vector<32x128xf32>
    %broadcast_in_dim3A = vector.shape_cast %reduce_max3A_2 : vector<32x128xf32> to vector<32x128x1xf32>
    %sub3A = vector.broadcast %broadcast_in_dim3A : vector<32x128x1xf32> to vector<32x128x128xf32>
    %sub3A_3 = arith.subf %reshape3A, %sub3A : vector<32x128x128xf32>
    %mul3A = arith.constant 1.44269502 : f32
    %mul3A_4 = vector.broadcast %mul3A : f32 to vector<32x128x128xf32>
    %mul3A_5 = arith.mulf %sub3A_3, %mul3A_4 : vector<32x128x128xf32>
    %exp23A = math.exp2 %mul3A_5 : vector<32x128x128xf32>
    %reduce_sum3A = arith.constant dense<0.000000e+00> : vector<32x128xf32>
    %reduce_sum3A_6 = vector.multi_reduction <add>, %exp23A, %reduce_sum3A [2] : vector<32x128x128xf32> to vector<32x128xf32>
    %log3A = math.log %reduce_sum3A_6 : vector<32x128xf32>
    %log3A_7 = arith.constant 2.000000e+00 : f32
    %log3A_8 = math.log %log3A_7 : f32
    %div3A = vector.broadcast %log3A_8 : f32 to vector<32x128xf32>
    %div3A_9 = arith.divf %log3A, %div3A : vector<32x128xf32>
    %mul3A_10 = arith.constant 0.693147182 : f32
    %mul3A_11 = vector.broadcast %mul3A_10 : f32 to vector<32x128xf32>
    %mul3A_12 = arith.mulf %div3A_9, %mul3A_11 : vector<32x128xf32>
    %add3A = arith.addf %reduce_max3A_2, %mul3A_12 : vector<32x128xf32>
    %mul3A_13 = arith.constant 32 : i32
    %mul3A_14 = arith.muli %arg0, %mul3A_13 : i32
    %swap3A = arith.index_cast %mul3A_14 : i32 to index
    %swap3A_15 = arith.constant 0 : index
    %swap3A_16 = vector.load %arg7[%swap3A, %swap3A_15] : memref<128x128xf32, #tpu.memory_space<vmem>>, vector<32x128xf32>
    tpu.vector_store %arg7[%swap3A, %swap3A_15], %add3A {strides = array<i32>} : memref<128x128xf32, #tpu.memory_space<vmem>>, vector<32x128xf32>,
    %eq3A = arith.constant 3 : i32
    %eq3A_17 = arith.cmpi eq, %arg0, %eq3A : i32
    %convert_element_type3A = arith.extui %eq3A_17 : i1 to i32
    %cond3A = arith.constant 0 : i32
    %cond3A_18 = arith.cmpi ne, %convert_element_type3A, %cond3A : i32
    scf.if %cond3A_18 {
      %get3A_19 = arith.constant 0 : index
      %get3A_20 = arith.constant 0 : index
      %get3A_21 = vector.load %arg7[%get3A_19, %get3A_20] : memref<128x128xf32, #tpu.memory_space<vmem>>, vector<128x128xf32>
      %get3A_22 = arith.constant 0 : index
      %get3A_23 = arith.constant 0 : index
      %get3A_24 = vector.load %arg2[%get3A_22, %get3A_23] : memref<128x128xf32, #tpu.memory_space<vmem>>, vector<128x128xf32>
      %get3A_25 = arith.constant 0 : index
      %get3A_26 = arith.constant 0 : index
      %get3A_27 = vector.load %arg3[%get3A_25, %get3A_26] : memref<128x128xf32, #tpu.memory_space<vmem>>, vector<128x128xf32>
      %get3A_28 = arith.constant 0 : index
      %get3A_29 = arith.constant 0 : index
      %get3A_30 = vector.load %arg4[%get3A_28, %get3A_29] : memref<128x128xf32, #tpu.memory_space<vmem>>, vector<128x128xf32>
      %get3A_31 = arith.constant 0 : index
      %get3A_32 = arith.constant 0 : index
      %get3A_33 = vector.load %arg5[%get3A_31, %get3A_32] : memref<128x128xf32, #tpu.memory_space<vmem>>, vector<128x128xf32>
      %sub3A_34 = arith.subf %get3A_24, %get3A_21 : vector<128x128xf32>
      %mul3A_35 = arith.constant 1.44269502 : f32
      %mul3A_36 = vector.broadcast %mul3A_35 : f32 to vector<128x128xf32>
      %mul3A_37 = arith.mulf %sub3A_34, %mul3A_36 : vector<128x128xf32>
      %exp23A_38 = math.exp2 %mul3A_37 : vector<128x128xf32>
      %add3A_39 = arith.constant 1.000000e-10 : f32
      %add3A_40 = vector.broadcast %add3A_39 : f32 to vector<128x128xf32>
      %add3A_41 = arith.addf %exp23A_38, %add3A_40 : vector<128x128xf32>
      %log3A_42 = math.log %add3A_41 : vector<128x128xf32>
      %log3A_43 = arith.constant 2.000000e+00 : f32
      %log3A_44 = math.log %log3A_43 : f32
      %div3A_45 = vector.broadcast %log3A_44 : f32 to vector<128x128xf32>
      %div3A_46 = arith.divf %log3A_42, %div3A_45 : vector<128x128xf32>
      %mul3A_47 = arith.constant 0.693147182 : f32
      %mul3A_48 = vector.broadcast %mul3A_47 : f32 to vector<128x128xf32>
      %mul3A_49 = arith.mulf %div3A_46, %mul3A_48 : vector<128x128xf32>
      %sub3A_50 = arith.constant 1.000000e+00 : f32
      %sub3A_51 = vector.broadcast %sub3A_50 : f32 to vector<128x128xf32>
      %sub3A_52 = arith.subf %get3A_27, %sub3A_51 : vector<128x128xf32>
      %log3A_53 = math.log %get3A_33 : vector<128x128xf32>
      %log3A_54 = arith.constant 2.000000e+00 : f32
      %log3A_55 = math.log %log3A_54 : f32
      %div3A_56 = vector.broadcast %log3A_55 : f32 to vector<128x128xf32>
      %div3A_57 = arith.divf %log3A_53, %div3A_56 : vector<128x128xf32>
      %mul3A_58 = arith.constant 0.693147182 : f32
      %mul3A_59 = vector.broadcast %mul3A_58 : f32 to vector<128x128xf32>
      %mul3A_60 = arith.mulf %div3A_57, %mul3A_59 : vector<128x128xf32>
      %mul3A_61 = arith.mulf %sub3A_52, %mul3A_60 : vector<128x128xf32>
      %sub3A_62 = arith.constant 1.000000e+00 : f32
      %sub3A_63 = vector.broadcast %sub3A_62 : f32 to vector<128x128xf32>
      %sub3A_64 = arith.subf %get3A_30, %sub3A_63 : vector<128x128xf32>
      %sub3A_65 = arith.constant 1.000000e+00 : f32
      %sub3A_66 = vector.broadcast %sub3A_65 : f32 to vector<128x128xf32>
      %sub3A_67 = arith.subf %sub3A_66, %get3A_33 : vector<128x128xf32>
      %log3A_68 = math.log %sub3A_67 : vector<128x128xf32>
      %log3A_69 = arith.constant 2.000000e+00 : f32
      %log3A_70 = math.log %log3A_69 : f32
      %div3A_71 = vector.broadcast %log3A_70 : f32 to vector<128x128xf32>
      %div3A_72 = arith.divf %log3A_68, %div3A_71 : vector<128x128xf32>
      %mul3A_73 = arith.constant 0.693147182 : f32
      %mul3A_74 = vector.broadcast %mul3A_73 : f32 to vector<128x128xf32>
      %mul3A_75 = arith.mulf %div3A_72, %mul3A_74 : vector<128x128xf32>
      %mul3A_76 = arith.mulf %sub3A_64, %mul3A_75 : vector<128x128xf32>
      %add3A_77 = arith.addf %mul3A_61, %mul3A_76 : vector<128x128xf32>
      %add3A_78 = arith.addf %get3A_27, %get3A_30 : vector<128x128xf32>
      %add3A_79 = arith.constant 4.000000e+00 : f32
      %add3A_80 = vector.broadcast %add3A_79 : f32 to vector<128x128xf32>
      %add3A_81 = arith.addf %add3A_78, %add3A_80 : vector<128x128xf32>
      %div3A_82 = arith.constant 1.000000e+00 : f32
      %div3A_83 = vector.broadcast %div3A_82 : f32 to vector<128x128xf32>
      %div3A_84 = arith.divf %div3A_83, %add3A_81 : vector<128x128xf32>
      %mul3A_85 = arith.mulf %div3A_84, %div3A_84 : vector<128x128xf32>
      %mul3A_86 = arith.constant 7.93650805E-4 : f32
      %mul3A_87 = vector.broadcast %mul3A_86 : f32 to vector<128x128xf32>
      %mul3A_88 = arith.mulf %mul3A_85, %mul3A_87 : vector<128x128xf32>
      %add3A_89 = arith.constant -0.00277777785 : f32
      %add3A_90 = vector.broadcast %add3A_89 : f32 to vector<128x128xf32>
      %add3A_91 = arith.addf %add3A_90, %mul3A_88 : vector<128x128xf32>
      %mul3A_92 = arith.mulf %mul3A_85, %add3A_91 : vector<128x128xf32>
      %add3A_93 = arith.constant 0.0833333358 : f32
      %add3A_94 = vector.broadcast %add3A_93 : f32 to vector<128x128xf32>
      %add3A_95 = arith.addf %add3A_94, %mul3A_92 : vector<128x128xf32>
      %mul3A_96 = arith.mulf %div3A_84, %add3A_95 : vector<128x128xf32>
      %sub3A_97 = arith.constant 5.000000e-01 : f32
      %sub3A_98 = vector.broadcast %sub3A_97 : f32 to vector<128x128xf32>
      %sub3A_99 = arith.subf %add3A_81, %sub3A_98 : vector<128x128xf32>
      %log3A_100 = math.log %add3A_81 : vector<128x128xf32>
      %log3A_101 = arith.constant 2.000000e+00 : f32
      %log3A_102 = math.log %log3A_101 : f32
      %div3A_103 = vector.broadcast %log3A_102 : f32 to vector<128x128xf32>
      %div3A_104 = arith.divf %log3A_100, %div3A_103 : vector<128x128xf32>
      %mul3A_105 = arith.constant 0.693147182 : f32
      %mul3A_106 = vector.broadcast %mul3A_105 : f32 to vector<128x128xf32>
      %mul3A_107 = arith.mulf %div3A_104, %mul3A_106 : vector<128x128xf32>
      %mul3A_108 = arith.mulf %sub3A_99, %mul3A_107 : vector<128x128xf32>
      %sub3A_109 = arith.subf %mul3A_108, %add3A_81 : vector<128x128xf32>
      %add3A_110 = arith.constant 0.918938517 : f32
      %add3A_111 = vector.broadcast %add3A_110 : f32 to vector<128x128xf32>
      %add3A_112 = arith.addf %sub3A_109, %add3A_111 : vector<128x128xf32>
      %add3A_113 = arith.addf %add3A_112, %mul3A_96 : vector<128x128xf32>
      %add3A_114 = arith.constant 1.000000e+00 : f32
      %add3A_115 = vector.broadcast %add3A_114 : f32 to vector<128x128xf32>
      %add3A_116 = arith.addf %add3A_78, %add3A_115 : vector<128x128xf32>
      %mul3A_117 = arith.mulf %add3A_78, %add3A_116 : vector<128x128xf32>
      %add3A_118 = arith.constant 2.000000e+00 : f32
      %add3A_119 = vector.broadcast %add3A_118 : f32 to vector<128x128xf32>
      %add3A_120 = arith.addf %add3A_78, %add3A_119 : vector<128x128xf32>
      %mul3A_121 = arith.mulf %mul3A_117, %add3A_120 : vector<128x128xf32>
      %add3A_122 = arith.constant 3.000000e+00 : f32
      %add3A_123 = vector.broadcast %add3A_122 : f32 to vector<128x128xf32>
      %add3A_124 = arith.addf %add3A_78, %add3A_123 : vector<128x128xf32>
      %mul3A_125 = arith.mulf %mul3A_121, %add3A_124 : vector<128x128xf32>
      %log3A_126 = math.log %mul3A_125 : vector<128x128xf32>
      %log3A_127 = arith.constant 2.000000e+00 : f32
      %log3A_128 = math.log %log3A_127 : f32
      %div3A_129 = vector.broadcast %log3A_128 : f32 to vector<128x128xf32>
      %div3A_130 = arith.divf %log3A_126, %div3A_129 : vector<128x128xf32>
      %mul3A_131 = arith.constant 0.693147182 : f32
      %mul3A_132 = vector.broadcast %mul3A_131 : f32 to vector<128x128xf32>
      %mul3A_133 = arith.mulf %div3A_130, %mul3A_132 : vector<128x128xf32>
      %sub3A_134 = arith.subf %add3A_113, %mul3A_133 : vector<128x128xf32>
      %add3A_135 = arith.addf %add3A_77, %sub3A_134 : vector<128x128xf32>
      %add3A_136 = arith.constant 4.000000e+00 : f32
      %add3A_137 = vector.broadcast %add3A_136 : f32 to vector<128x128xf32>
      %add3A_138 = arith.addf %get3A_27, %add3A_137 : vector<128x128xf32>
      %div3A_139 = arith.constant 1.000000e+00 : f32
      %div3A_140 = vector.broadcast %div3A_139 : f32 to vector<128x128xf32>
      %div3A_141 = arith.divf %div3A_140, %add3A_138 : vector<128x128xf32>
      %mul3A_142 = arith.mulf %div3A_141, %div3A_141 : vector<128x128xf32>
      %mul3A_143 = arith.constant 7.93650805E-4 : f32
      %mul3A_144 = vector.broadcast %mul3A_143 : f32 to vector<128x128xf32>
      %mul3A_145 = arith.mulf %mul3A_142, %mul3A_144 : vector<128x128xf32>
      %add3A_146 = arith.constant -0.00277777785 : f32
      %add3A_147 = vector.broadcast %add3A_146 : f32 to vector<128x128xf32>
      %add3A_148 = arith.addf %add3A_147, %mul3A_145 : vector<128x128xf32>
      %mul3A_149 = arith.mulf %mul3A_142, %add3A_148 : vector<128x128xf32>
      %add3A_150 = arith.constant 0.0833333358 : f32
      %add3A_151 = vector.broadcast %add3A_150 : f32 to vector<128x128xf32>
      %add3A_152 = arith.addf %add3A_151, %mul3A_149 : vector<128x128xf32>
      %mul3A_153 = arith.mulf %div3A_141, %add3A_152 : vector<128x128xf32>
      %sub3A_154 = arith.constant 5.000000e-01 : f32
      %sub3A_155 = vector.broadcast %sub3A_154 : f32 to vector<128x128xf32>
      %sub3A_156 = arith.subf %add3A_138, %sub3A_155 : vector<128x128xf32>
      %log3A_157 = math.log %add3A_138 : vector<128x128xf32>
      %log3A_158 = arith.constant 2.000000e+00 : f32
      %log3A_159 = math.log %log3A_158 : f32
      %div3A_160 = vector.broadcast %log3A_159 : f32 to vector<128x128xf32>
      %div3A_161 = arith.divf %log3A_157, %div3A_160 : vector<128x128xf32>
      %mul3A_162 = arith.constant 0.693147182 : f32
      %mul3A_163 = vector.broadcast %mul3A_162 : f32 to vector<128x128xf32>
      %mul3A_164 = arith.mulf %div3A_161, %mul3A_163 : vector<128x128xf32>
      %mul3A_165 = arith.mulf %sub3A_156, %mul3A_164 : vector<128x128xf32>
      %sub3A_166 = arith.subf %mul3A_165, %add3A_138 : vector<128x128xf32>
      %add3A_167 = arith.constant 0.918938517 : f32
      %add3A_168 = vector.broadcast %add3A_167 : f32 to vector<128x128xf32>
      %add3A_169 = arith.addf %sub3A_166, %add3A_168 : vector<128x128xf32>
      %add3A_170 = arith.addf %add3A_169, %mul3A_153 : vector<128x128xf32>
      %add3A_171 = arith.constant 1.000000e+00 : f32
      %add3A_172 = vector.broadcast %add3A_171 : f32 to vector<128x128xf32>
      %add3A_173 = arith.addf %get3A_27, %add3A_172 : vector<128x128xf32>
      %mul3A_174 = arith.mulf %get3A_27, %add3A_173 : vector<128x128xf32>
      %add3A_175 = arith.constant 2.000000e+00 : f32
      %add3A_176 = vector.broadcast %add3A_175 : f32 to vector<128x128xf32>
      %add3A_177 = arith.addf %get3A_27, %add3A_176 : vector<128x128xf32>
      %mul3A_178 = arith.mulf %mul3A_174, %add3A_177 : vector<128x128xf32>
      %add3A_179 = arith.constant 3.000000e+00 : f32
      %add3A_180 = vector.broadcast %add3A_179 : f32 to vector<128x128xf32>
      %add3A_181 = arith.addf %get3A_27, %add3A_180 : vector<128x128xf32>
      %mul3A_182 = arith.mulf %mul3A_178, %add3A_181 : vector<128x128xf32>
      %log3A_183 = math.log %mul3A_182 : vector<128x128xf32>
      %log3A_184 = arith.constant 2.000000e+00 : f32
      %log3A_185 = math.log %log3A_184 : f32
      %div3A_186 = vector.broadcast %log3A_185 : f32 to vector<128x128xf32>
      %div3A_187 = arith.divf %log3A_183, %div3A_186 : vector<128x128xf32>
      %mul3A_188 = arith.constant 0.693147182 : f32
      %mul3A_189 = vector.broadcast %mul3A_188 : f32 to vector<128x128xf32>
      %mul3A_190 = arith.mulf %div3A_187, %mul3A_189 : vector<128x128xf32>
      %sub3A_191 = arith.subf %add3A_170, %mul3A_190 : vector<128x128xf32>
      %sub3A_192 = arith.subf %add3A_135, %sub3A_191 : vector<128x128xf32>
      %add3A_193 = arith.constant 4.000000e+00 : f32
      %add3A_194 = vector.broadcast %add3A_193 : f32 to vector<128x128xf32>
      %add3A_195 = arith.addf %get3A_30, %add3A_194 : vector<128x128xf32>
      %div3A_196 = arith.constant 1.000000e+00 : f32
      %div3A_197 = vector.broadcast %div3A_196 : f32 to vector<128x128xf32>
      %div3A_198 = arith.divf %div3A_197, %add3A_195 : vector<128x128xf32>
      %mul3A_199 = arith.mulf %div3A_198, %div3A_198 : vector<128x128xf32>
      %mul3A_200 = arith.constant 7.93650805E-4 : f32
      %mul3A_201 = vector.broadcast %mul3A_200 : f32 to vector<128x128xf32>
      %mul3A_202 = arith.mulf %mul3A_199, %mul3A_201 : vector<128x128xf32>
      %add3A_203 = arith.constant -0.00277777785 : f32
      %add3A_204 = vector.broadcast %add3A_203 : f32 to vector<128x128xf32>
      %add3A_205 = arith.addf %add3A_204, %mul3A_202 : vector<128x128xf32>
      %mul3A_206 = arith.mulf %mul3A_199, %add3A_205 : vector<128x128xf32>
      %add3A_207 = arith.constant 0.0833333358 : f32
      %add3A_208 = vector.broadcast %add3A_207 : f32 to vector<128x128xf32>
      %add3A_209 = arith.addf %add3A_208, %mul3A_206 : vector<128x128xf32>
      %mul3A_210 = arith.mulf %div3A_198, %add3A_209 : vector<128x128xf32>
      %sub3A_211 = arith.constant 5.000000e-01 : f32
      %sub3A_212 = vector.broadcast %sub3A_211 : f32 to vector<128x128xf32>
      %sub3A_213 = arith.subf %add3A_195, %sub3A_212 : vector<128x128xf32>
      %log3A_214 = math.log %add3A_195 : vector<128x128xf32>
      %log3A_215 = arith.constant 2.000000e+00 : f32
      %log3A_216 = math.log %log3A_215 : f32
      %div3A_217 = vector.broadcast %log3A_216 : f32 to vector<128x128xf32>
      %div3A_218 = arith.divf %log3A_214, %div3A_217 : vector<128x128xf32>
      %mul3A_219 = arith.constant 0.693147182 : f32
      %mul3A_220 = vector.broadcast %mul3A_219 : f32 to vector<128x128xf32>
      %mul3A_221 = arith.mulf %div3A_218, %mul3A_220 : vector<128x128xf32>
      %mul3A_222 = arith.mulf %sub3A_213, %mul3A_221 : vector<128x128xf32>
      %sub3A_223 = arith.subf %mul3A_222, %add3A_195 : vector<128x128xf32>
      %add3A_224 = arith.constant 0.918938517 : f32
      %add3A_225 = vector.broadcast %add3A_224 : f32 to vector<128x128xf32>
      %add3A_226 = arith.addf %sub3A_223, %add3A_225 : vector<128x128xf32>
      %add3A_227 = arith.addf %add3A_226, %mul3A_210 : vector<128x128xf32>
      %add3A_228 = arith.constant 1.000000e+00 : f32
      %add3A_229 = vector.broadcast %add3A_228 : f32 to vector<128x128xf32>
      %add3A_230 = arith.addf %get3A_30, %add3A_229 : vector<128x128xf32>
      %mul3A_231 = arith.mulf %get3A_30, %add3A_230 : vector<128x128xf32>
      %add3A_232 = arith.constant 2.000000e+00 : f32
      %add3A_233 = vector.broadcast %add3A_232 : f32 to vector<128x128xf32>
      %add3A_234 = arith.addf %get3A_30, %add3A_233 : vector<128x128xf32>
      %mul3A_235 = arith.mulf %mul3A_231, %add3A_234 : vector<128x128xf32>
      %add3A_236 = arith.constant 3.000000e+00 : f32
      %add3A_237 = vector.broadcast %add3A_236 : f32 to vector<128x128xf32>
      %add3A_238 = arith.addf %get3A_30, %add3A_237 : vector<128x128xf32>
      %mul3A_239 = arith.mulf %mul3A_235, %add3A_238 : vector<128x128xf32>
      %log3A_240 = math.log %mul3A_239 : vector<128x128xf32>
      %log3A_241 = arith.constant 2.000000e+00 : f32
      %log3A_242 = math.log %log3A_241 : f32
      %div3A_243 = vector.broadcast %log3A_242 : f32 to vector<128x128xf32>
      %div3A_244 = arith.divf %log3A_240, %div3A_243 : vector<128x128xf32>
      %mul3A_245 = arith.constant 0.693147182 : f32
      %mul3A_246 = vector.broadcast %mul3A_245 : f32 to vector<128x128xf32>
      %mul3A_247 = arith.mulf %div3A_244, %mul3A_246 : vector<128x128xf32>
      %sub3A_248 = arith.subf %add3A_227, %mul3A_247 : vector<128x128xf32>
      %sub3A_249 = arith.subf %sub3A_192, %sub3A_248 : vector<128x128xf32>
      %add3A_250 = arith.addf %mul3A_49, %sub3A_249 : vector<128x128xf32>
      %swap3A_251 = arith.constant 0 : index
      %swap3A_252 = arith.constant 0 : index
      %swap3A_253 = vector.load %arg6[%swap3A_251, %swap3A_252] : memref<128x128xf32, #tpu.memory_space<vmem>>, vector<128x128xf32>
      tpu.vector_store %arg6[%swap3A_251, %swap3A_252], %add3A_250 {strides = array<i32>} : memref<128x128xf32, #tpu.memory_space<vmem>>, vector<128x128xf32>,
    } else {
    }
    return
  }
  func.func @transform_0(%arg0: i32) -> (i32, i32) {
    %c0_i32 = arith.constant 0 : i32
    %c0_i32_0 = arith.constant 0 : i32
    return %arg0, %c0_i32 : i32, i32
  }
  func.func @transform_1(%arg0: i32) -> (i32, i32) {
    %c0_i32 = arith.constant 0 : i32
    %c0_i32_0 = arith.constant 0 : i32
    %c0_i32_1 = arith.constant 0 : i32
    return %c0_i32, %c0_i32_0 : i32, i32
  }
  func.func @transform_2(%arg0: i32) -> (i32, i32) {
    %c0_i32 = arith.constant 0 : i32
    %c0_i32_0 = arith.constant 0 : i32
    %c0_i32_1 = arith.constant 0 : i32
    return %c0_i32, %c0_i32_0 : i32, i32
  }
  func.func @transform_3(%arg0: i32) -> (i32, i32) {
    %c0_i32 = arith.constant 0 : i32
    %c0_i32_0 = arith.constant 0 : i32
    %c0_i32_1 = arith.constant 0 : i32
    return %c0_i32, %c0_i32_0 : i32, i32
  }
  func.func @transform_4(%arg0: i32) -> (i32, i32) {
    %c0_i32 = arith.constant 0 : i32
    %c0_i32_0 = arith.constant 0 : i32
    %c0_i32_1 = arith.constant 0 : i32
    return %c0_i32, %c0_i32_0 : i32, i32
  }
  func.func @transform_5(%arg0: i32) -> (i32, i32) {
    %c0_i32 = arith.constant 0 : i32
    %c0_i32_0 = arith.constant 0 : i32
    %c0_i32_1 = arith.constant 0 : i32
    return %c0_i32, %c0_i32_0 : i32, i32
  }
}

</mosaic_0001>

<sc_bundles>
// kernel: kernel.4.cloned.1.call-start
scs
__scs_entry_jumppad:
0x0: {  	(pc) =	sbr.rel $0x88, $3  }
0x1: {  	(tag) =	ssettag $0x0;
	lr =	simm.s32 $0x1  }
0x2: {  	[smem:$0x3F9B] =	sst lr;
	_ =	strace $0xD0000000  }
0x3: {  	_ = 	snop  }
0x4: {  	_ = 	snop  }
0x5: {  	_ = 	snop  }
0x6: {  	_ = 	snop  }
0x7: {  	_ = 	snop  }
__scs_overlays_trampoline_lowered:
0x8: {  	[smem:$0x3FAA] =	sst s0  }
0x9: {  	[smem:$0x3FAB] =	sst s1  }
0xa: {  	[smem:$0x3FAC] =	sst s2  }
0xb: {  	[smem:$0x3FAD] =	sst s3  }
0xc: {  	[smem:$0x3FAE] =	sst s4  }
0xd: {  	[smem:$0x3FAF] =	sst s5  }
0xe: {  	[smem:$0x3FB0] =	sst s6  }
0xf: {  	[smem:$0x3FB1] =	sst s7  }
0x10: {  	[smem:$0x3FB2] =	sst s8  }
0x11: {  	[smem:$0x3FB3] =	sst s9;
	s0 =	simm.s32 @!p0 $0x0  }
0x12: {  	s1 =	sld [smem:$0x3F99];
	s0 =	simm.s32 @p0 $0x1  }
0x13: {  	[smem:$0x3FB4] =	sst s0;
	s0 =	simm.s32 @!p1 $0x0  }
0x14: {  	s2 =	sld [smem:$0x3F98];
	s0 =	simm.s32 @p1 $0x1  }
0x15: {  	[smem:$0x3FB5] =	sst s0;
	s0 =	simm.s32 @!p2 $0x0  }
0x16: {  	s3 =	sld [smem:$0x3FDB];
	s0 =	simm.s32 @p2 $0x1  }
0x17: {  	s4 =	simm.s32 $0x1BF5;
	[smem:$0x3FB7] =	sst s0  }
0x18: {  	s0 =	sld [smem:$0x3F9A];
	_ =	swait.ge [sflag:s4], $0x0  }
0x19: {  	s7 =	sld [smem:$0x3F9B]  }
0x1a: {  	s8 =	sadd.s32 $0xFFFFE003, lr  }
0x1b: {  	s9 =	sadd.s32 $0xFFFFFEF7, lr;
	s5 =	simm.s32 $0xFFFFFFFF;
	p2 =	slt.u32 s8, $0xFFFFF086  }
0x1c: {  	p1 =	slt.u32 s9, $0xF7A;
	s5 =	simm.s32 @!p2 $0x0  }
0x1d: {  	s5 =	simm.s32 @p1 $0x1;
	p0 =	seq.s32 s7, s2  }
0x1e: {  	s7 =	smul.u32 @!p0 $0xF7A, s2;
	p2 =	seq.s32 @!p0 s5, $0x0  }
0x1f: {  	s9 =	smul.u32 $0xF7A, s1;
	s8 =	simm.s32 @!p0 $0x1BF5;
	p2 =	por !p2, p0  }
0x20: {  	[sflag:s8] =	ssyncset.s32 @!p0 $0xFFFFF086;
	s6 =	sadd.s32 @!p0 s3, s7;
	s7 =	simm.s32 @!p0 $0x108  }
0x21: {  	s3 =	sadd.s32 s3, s9;
	s6 =	sadd.s32 @!p0 $0x88, s6;
	s7 =	simm.s32 @p2 $0x1082  }
0x22: {  	[simem:s7], [sflag:s8] =	dma.local @!p0 [hbm:s6], $0xF7A  }
0x23: {  	s9 =	sor.u32 $0xD0000000, s2;
	s6 =	simm.s32 $0x108;
	_ =	swait.ge @!p0 [sflag:s8], $0x0  }
0x24: {  	s3 =	sadd.s32 $0x88, s3;
	s6 =	simm.s32 @!p1 $0x1082;
	[sflag:s4] =	ssyncset.s32 $0xFFFFF086  }
0x25: {  	[simem:s6], [sflag:s4] =	dma.local [hbm:s3], $0xF7A  }
0x26: {  	[smem:$0x3F9B] =	sst s1;
	(tag) =	ssettag s2;
	_ =	strace s9  }
0x27: {  	s1 =	sld [smem:$0x3FAB]  }
0x28: {  	s2 =	sld [smem:$0x3FAC]  }
0x29: {  	s4 =	sld [smem:$0x3FAE]  }
0x2a: {  	p0 =	seq.s32 s5, $0x0;
	s5 =	sld [smem:$0x3FAF]  }
0x2b: {  	s6 =	sld [smem:$0x3FB0]  }
0x2c: {  	s7 =	sld [smem:$0x3FB1]  }
0x2d: {  	s3 =	simm.s32 $0x108;
	s8 =	sld [smem:$0x3FB2]  }
0x2e: {  	s3 =	simm.s32 @!p0 $0x1082;
	s9 =	sld [smem:$0x3FB3]  }
0x2f: {  	lr =	sadd.s32 s0, s3;
	s0 =	sld [smem:$0x3FAA]  }
0x30: {  	s3 =	sld [smem:$0x3FAD]  }
0x31: {  	[smem:$0x3FB6] =	sst s10  }
0x32: {  	s10 =	sld [smem:$0x3FB4];
	_ =	sdelay $0x3  }
0x33: {  	p0 =	seq.s32 s10, $0x1;
	s10 =	sld [smem:$0x3FB6];
	_ =	sdelay $0x3  }
0x34: {  	[smem:$0x3FB6] =	sst s10  }
0x35: {  	s10 =	sld [smem:$0x3FB5];
	_ =	sdelay $0x3  }
0x36: {  	p1 =	seq.s32 s10, $0x1;
	s10 =	sld [smem:$0x3FB6];
	_ =	sdelay $0x3  }
0x37: {  	[smem:$0x3FB6] =	sst s10  }
0x38: {  	s10 =	sld [smem:$0x3FB7]  }
0x39: {  	_ = 	snop;
	(pc) =	sbr.ind lr, $3  }
0x3a: {  	_ = 	snop  }
0x3b: {  	_ = 	snop  }
0x3c: {  	p2 =	seq.s32 s10, $0x1;
	s10 =	sld [smem:$0x3FB6]  }
0x3d: {  	_ =	shalt  }
0x3e: {  	_ =	shalt  }
0x3f: {  	_ =	shalt  }
0x40: {  	_ =	shalt  }
0x41: {  	_ =	shalt  }
0x42: {  	_ =	shalt  }
0x43: {  	_ =	shalt  }
0x44: {  	_ =	shalt  }
0x45: {  	_ =	shalt  }
0x46: {  	_ =	shalt  }
0x47: {  	_ =	shalt  }
0x48: {  	_ =	shalt  }
0x49: {  	_ =	shalt  }
0x4a: {  	_ =	shalt  }
0x4b: {  	_ =	shalt  }
0x4c: {  	_ =	shalt  }
0x4d: {  	_ =	shalt  }
0x4e: {  	_ =	shalt  }
0x4f: {  	_ =	shalt  }
0x50: {  	_ =	shalt  }
0x51: {  	_ =	shalt  }
0x52: {  	_ =	shalt  }
0x53: {  	_ =	shalt  }
0x54: {  	_ =	shalt  }
0x55: {  	_ =	shalt  }
0x56: {  	_ =	shalt  }
0x57: {  	_ =	shalt  }
0x58: {  	_ =	shalt  }
0x59: {  	_ =	shalt  }
0x5a: {  	_ =	shalt  }
0x5b: {  	_ =	shalt  }
0x5c: {  	_ =	shalt  }
0x5d: {  	_ =	shalt  }
0x5e: {  	_ =	shalt  }
0x5f: {  	_ =	shalt  }
0x60: {  	_ =	shalt  }
0x61: {  	_ =	shalt  }
0x62: {  	_ =	shalt  }
0x63: {  	_ =	shalt  }
0x64: {  	_ =	shalt  }
0x65: {  	_ =	shalt  }
0x66: {  	_ =	shalt  }
0x67: {  	_ =	shalt  }
0x68: {  	_ =	shalt  }
0x69: {  	_ =	shalt  }
0x6a: {  	_ =	shalt  }
0x6b: {  	_ =	shalt  }
0x6c: {  	_ =	shalt  }
0x6d: {  	_ =	shalt  }
0x6e: {  	_ =	shalt  }
0x6f: {  	_ =	shalt  }
0x70: {  	_ =	shalt  }
0x71: {  	_ =	shalt  }
0x72: {  	_ =	shalt  }
0x73: {  	_ =	shalt  }
0x74: {  	_ =	shalt  }
0x75: {  	_ =	shalt  }
0x76: {  	_ =	shalt  }
0x77: {  	_ =	shalt  }
0x78: {  	_ =	shalt  }
0x79: {  	_ =	shalt  }
0x7a: {  	_ =	shalt  }
0x7b: {  	_ =	shalt  }
0x7c: {  	_ =	shalt  }
0x7d: {  	_ =	shalt  }
0x7e: {  	_ =	shalt  }
0x7f: {  	_ =	shalt  }
0x80: {  	_ =	shalt  }
0x81: {  	_ =	shalt  }
0x82: {  	_ =	shalt  }
0x83: {  	_ =	shalt  }
0x84: {  	_ =	shalt  }
0x85: {  	_ =	shalt  }
0x86: {  	_ =	shalt  }
0x87: {  	_ =	shalt  }
.Lfunc_end0:
.L_simem_size_0:
called_computation_lowered:
.L_overlay_start_0:
0x88: {  	s2 =	sld [smem:$0x3FD9]  }
0x89: {  	s3 =	sld [smem:$0x3FFE];
	_ =	sdelay $0x1  }
0x8a: {  	s1 =	srdreg.scid  }
0x8b: {  	s0 =	sand.u32 $0x1, s1  }
0x8c: {  	s17 =	sshll.u32 s0, $0xA;
	s2 =	sadd.s32 s3, s2  }
0x8d: {  	s2 =	sadd.s32 s2, s17  }
0x8e: {  	[smem:$0x3FC2] =	sst s2  }
0x8f: {  	_ = 	snop  }
0x90: {  	s2 =	sld [smem:$0x3FC9]  }
0x91: {  	s18 =	sld [smem:$0x3FC8]  }
0x92: {  	s4 =	sld [smem:$0x3FC7]  }
0x93: {  	s5 =	sld [smem:$0x3FC5]  }
0x94: {  	s6 =	sld [smem:$0x3FC4]  }
0x95: {  	s7 =	sld [smem:$0x3FD0];
	(tm) =	ssettm $0x1  }
0x96: {  	s8 =	sld [smem:$0x3FFB];
	_ =	sdelay $0x3  }
0x97: {  	_ =	strace s8  }
0x98: {  	s8 =	sld [smem:$0x3FFC];
	_ =	sdelay $0x3  }
0x99: {  	_ =	strace s8  }
0x9a: {  	s8 =	sld [smem:$0x3FFD];
	_ =	sdelay $0x3  }
0x9b: {  	_ =	strace s8  }
0x9c: {  	_ =	strace $0x8FFFFFFF  }
0x9d: {  	s19 =	sld [smem:$0x3FDB];
	_ =	sdelay $0x1  }
0x9e: {  	s9 =	simm.s32 $_scs_section_size  }
0x9f: {  	s10 =	simm.s32 $_size__tile_overlayer_lowered;
	s11 =	simm.s32 $_tile_overlayer_lowered  }
0xa0: {  	s22 =	simm.s32 $0x1BFF;
	s21 =	sshll.u32 s11, $0x1;
	s8 =	sadd.s32 s9, s19  }
0xa1: {  	s12 =	simm.s32 $0x0;
	s20 =	sshll.u32 s10, $0x1;
	s10 =	sadd.s32 s21, s8  }
0xa2: {  	[timem:s12], [sflag:s22] =	dma.local [hbm:s10], s20  }
0xa3: {  	_ =	swait.ge [sflag:s22], s20  }
0xa4: {  	s9 =	ssub.s32 $0x0, s20;
	[sflag:s22] =	ssyncset.done $0x0  }
0xa5: {  	[sflag:s22] =	ssyncadd.s32 s9;
	_ =	sdelay $0x1  }
0xa6: {  	s23 =	simm.s32 $0x1B8B  }
0xa7: {  	_ =	swait.ge [sflag:s23], $0x1  }
0xa8: {  	[sflag:s23] =	ssyncset.done $0x0  }
0xa9: {  	s25 =	simm.s32 $0x1B8E;
	s24 =	sld [smem:$0x3FFE];
	[sflag:s23] =	ssyncadd.s32 $0xFFFFFFFF  }
0xaa: {  	s26 =	simm.s32 $execute0_lowered;
	[smem:$0x3FD2] =	sst s25  }
0xab: {  	s10 =	sshll.u32 s26, $0x1;
	_ =	strace $0x80000046;
	[dreg:$0x1] =	wrdreg $0xFFFFFFFF  }
0xac: {  	s28 =	simm.s32 $_size_execute0_lowered;
	s8 =	sadd.s32 s8, s10;
	[dreg:$0x0] =	wrdreg $0x0  }
0xad: {  	s10 =	sshll.u32 s28, $0x1;
	[dreg:$0x2] =	wrdreg s8  }
0xae: {  	[dreg:$0x3] =	wrdreg s10  }
0xaf: {  	[dreg:$0x4] =	wrdreg $0xC0  }
0xb0: {  	_ =	task [dreg:s12], $0x5FFFF  }
0xb1: {  	[dreg:$0x1] =	wrdreg $0xFFFFFFFF  }
0xb2: {  	[dreg:$0x0] =	wrdreg $0x60  }
0xb3: {  	[dreg:$0x2] =	wrdreg s2  }
0xb4: {  	[dreg:$0x3] =	wrdreg s18  }
0xb5: {  	[dreg:$0x4] =	wrdreg s4  }
0xb6: {  	[dreg:$0x5] =	wrdreg s5  }
0xb7: {  	[dreg:$0x6] =	wrdreg s6  }
0xb8: {  	[dreg:$0x7] =	wrdreg s24  }
0xb9: {  	[dreg:$0x8] =	wrdreg s7  }
0xba: {  	[dreg:$0x9] =	wrdreg $0x9  }
0xbb: {  	_ =	task.clear_ibuf [dreg:s12], $0xAFFFF;
	_ =	strace $0x90000046  }
0xbc: {  	s29 =	simm.s32 $0x9;
	_ =	strace $0x80000048  }
0xbd: {  	_ =	swait.ge [sflag:s29], $0x1  }
0xbe: {  	[sflag:s29] =	ssyncadd.s32 $0xFFFFFFFF  }
0xbf: {  	_ =	strace $0x90000048  }
0xc0: {  	_ =	sfence  }
0xc1: {  	s30 =	sld [smem:$0x0];
	_ =	sdelay $0x2  }
0xc2: {  	s31 =	sshll.u32 s1, $0xD;
	s1 =	sshrl.u32 s1, $0x2  }
0xc3: {  	s3 =	sand.u32 $0x4000, s31;
	s1 =	sadd.s32 s1, s30  }
0xc4: {  	s0 =	sor.u32 s3, s0;
	s1 =	sshll.u32 s1, $0x11  }
0xc5: {  	s0 =	sor.u32 s1, s0  }
0xc6: {  	s0 =	sadd.s32 $0x8F2B, s0  }
0xc7: {  	[sflag:s0] =	ssyncadd.remote.s32 $0x1  }
0xc8: {  	_ =	sfence.sel $0xFFFF  }
0xc9: {  	[dreg:$0x0] =	wrdreg $0xFFFFFFFF;
	(pc) =	sbr.abs _section_cstart, $3  }
0xca: {  	[dreg:$0x1] =	wrdreg $0xFFFFFFFF  }
0xcb: {  	_ =	task.clear_ibuf [dreg:s12], $0x2FFFF;
	_ =	strace $0x9FFFFFFF  }
0xcc: {  	(tm) =	ssettm $0x7FFFFFFF  }
0xcd: {  	_ =	shalt  }
tec
execute0_lowered:
.L_overlay_start_1:
0x0: {  	(tag) =	ssettag $0x1  }
0x1: {  	s0 =	rddreg [dreg:$0x0]  }
0x2: {  	s2 =	rddreg [dreg:$0x1]  }
0x3: {  	s3 =	rddreg [dreg:$0x2]  }
0x4: {  	s1 =	rddreg [dreg:$0x3]  }
0x5: {  	s6 =	rddreg [dreg:$0x4]  }
0x6: {  	s7 =	rddreg [dreg:$0x5]  }
0x7: {  	s8 =	rddreg [dreg:$0x6];
	s9 =	srdreg.scid;
	s5 =	simm.s32 $0x0  }
0x8: {  	s4 =	stileid.u32;
	s13 =	simm.s32 $0x8600;
	s14 =	simm.s32 $0x180  }
0x9: {  	s15 =	simm.s32 $0xC600;
	s28 =	simm.s32 $0x10B80;
	s29 =	simm.s32 $0x1  }
0xa: {  	s30 =	simm.s32 $0x2;
	s31 =	simm.s32 $0x10600;
	s9 =	sand.u32 $0x1, s9  }
0xb: {  	s10 =	sshll.u32 s4, $0x1;
	s11 =	sshll.u32 s4, $0x7;
	[smem:$0x7FF] =	sst s5  }
0xc: {  	s12 =	sshll.u32 s9, $0x6;
	s10 =	sor.u32 s9, s10;
	_ =	strace $0x80000047  }
0xd: {  	s9 =	ssub.s32 $0x2, s9;
	s11 =	sor.u32 s12, s11;
	s16 =	sshll.u32 s10, $0xD  }
0xe: {  	v0 =	vlaneseq.u32;
	s20 =	sshll.u32 s10, $0x6;
	s24 =	sshrl.u32 s9, $0x1;
	s10 =	simm.s32 $0x600  }
0xf: {  	v0 =	vmul.u32 $0x80, v0;
	s1 =	sadd.s32 s1, s11;
	s12 =	sadd.s32 s16, s7;
	s17 =	sadd.s32 s6, s11  }
0x10: {  	s7 =	sadd.s32 s20, s7;
	s23 =	sadd.s32 s8, s20;
	s6 =	ssub.s32 s9, s24  }
0x11: {  	v1 =	vor.u32 $0x800, v0;
	v6 =	vor.u32 $0x3000, v0;
	v7 =	vor.u32 $0x3800, v0;
	s8 =	simm.s32 $0x200;
	s9 =	simm.s32 $0x80;
	[dreg:$0x8] =	wrdreg s1  }
0x12: {  	v8 =	vor.u32 $0x4000, v0;
	v9 =	vor.u32 $0x4800, v0;
	v10 =	vor.u32 $0x5000, v0;
	s11 =	simm.s32 $0x4600;
	s16 =	simm.s32 $0x400;
	[dreg:$0x9] =	wrdreg s17  }
0x13: {  	v11 =	vor.u32 $0x5800, v0;
	v12 =	vor.u32 $0x6000, v0;
	v13 =	vor.u32 $0x6800, v0;
	s20 =	simm.s32 $0x10880;
	s18 =	sadd.s32 $0x1200, s12;
	[dreg:$0xe] =	wrdreg s23  }
0x14: {  	v14 =	vor.u32 $0x7000, v0;
	v15 =	vor.u32 $0x7800, v0;
	v16 =	vor.u32 $0x8000, v0;
	s24 =	simm.s32 $0x10B00;
	s19 =	sadd.s32 $0x1A00, s12;
	[dreg:$0xa] =	wrdreg s18  }
0x15: {  	v17 =	vor.u32 $0x8800, v0;
	v18 =	vor.u32 $0x9000, v0;
	v19 =	vor.u32 $0x9800, v0;
	s21 =	sadd.s32 $0x2200, s12;
	s22 =	sadd.s32 $0x2A00, s12;
	[dreg:$0xb] =	wrdreg s19  }
0x16: {  	v20 =	vor.u32 $0xA000, v0;
	v21 =	vor.u32 $0xA800, v0;
	v22 =	vor.u32 $0xB000, v0;
	s25 =	sadd.s32 $0x41200, s7;
	s26 =	sadd.s32 $0x41A00, s7;
	[dreg:$0xc] =	wrdreg s21  }
0x17: {  	v23 =	vor.u32 $0xB800, v0;
	v24 =	vor.u32 $0xC000, v0;
	[tilespmem:$0x1FFB0] =	vst v1;
	v1 =	vor.u32 $0x1000, v0;
	s6 =	smax.u32 s6, $0x1;
	s7 =	simm.s32 $0x4;
	[dreg:$0xd] =	wrdreg s22  }
0x18: {  	v25 =	vor.u32 $0xC800, v0;
	v26 =	vor.u32 $0xD000, v0;
	[tilespmem:$0x1FFC0] =	vst v1;
	v1 =	vor.u32 $0x1800, v0;
	s12 =	simm.s32 $0x100;
	s17 =	simm.s32 $0x10800;
	[dreg:$0xf] =	wrdreg s25  }
0x19: {  	v27 =	vor.u32 $0xD800, v0;
	v28 =	vor.u32 $0xE000, v0;
	s23 =	simm.s32 $0x10900;
	s1 =	simm.s32 $0x3;
	[tilespmem:$0x1FFD0] =	vst v1;
	v1 =	vor.u32 $0x2000, v0;
	[dreg:$0x10] =	wrdreg s26  }
0x1a: {  	v29 =	vor.u32 $0xE800, v0;
	s18 =	simm.s32 $0x10A00;
	s19 =	simm.s32 $0x480;
	s21 =	simm.s32 $0x10A80;
	[tilespmem:$0x1FFE0] =	vst v1;
	v1 =	vor.u32 $0x2800, v0  }
0x1b: {  	v30 =	vor.u32 $0xF000, v0;
	v31 =	vor.u32 $0xF800, v0;
	s22 =	simm.s32 $0x500;
	s25 =	simm.s32 $0x580;
	s26 =	simm.s32 $0x10980;
	[tilespmem:$0x1FFF0] =	vst v1  }
.LBB2_1:
0x1c: {  	s4 =	rddreg [dreg:$0x8]  }
0x1d: {  	[tilespmem:s5], [sflag:$0x4] =	stream.linear.gather [hbm4b:s4+s5], $0x200, $0x38;
	[tilespmem:$0x10C00] =	vst v63  }
0x1e: {  	_ =	swait.ge [sflag:s7], $0x200  }
0x1f: {  	[sflag:s7] =	ssyncset.done $0x0  }
0x20: {  	s4 =	rddreg [dreg:$0x9];
	[sflag:s7] =	ssyncadd.s32 $0xFFFFFE00  }
0x21: {  	[tilespmem:s8], [sflag:$0x4] =	stream.linear.gather [hbm4b:s4+s5], $0x200, $0x38;
	[tilespmem:$0x10C00] =	vst v63  }
0x22: {  	_ =	swait.ge [sflag:s7], $0x200  }
0x23: {  	[sflag:s7] =	ssyncset.done $0x0  }
0x24: {  	[sflag:s7] =	ssyncadd.s32 $0xFFFFFE00  }
0x25: {  	v32 =	vld [tilespmem:$0x0]  }
0x26: {  	v33 =	vld [tilespmem:$0x200]  }
0x27: {  	v34 =	vld [tilespmem:$0x10]  }
0x28: {  	v35 =	vld [tilespmem:$0x210]  }
0x29: {  	v36 =	vld [tilespmem:$0x20]  }
0x2a: {  	v37 =	vld [tilespmem:$0x220]  }
0x2b: {  	v38 =	vld [tilespmem:$0x30]  }
0x2c: {  	v39 =	vld [tilespmem:$0x230]  }
0x2d: {  	v40 =	vld [tilespmem:$0x40]  }
0x2e: {  	v41 =	vld [tilespmem:$0x240]  }
0x2f: {  	v42 =	vld [tilespmem:$0x50]  }
0x30: {  	v43 =	vld [tilespmem:$0x250]  }
0x31: {  	v44 =	vld [tilespmem:$0x60]  }
0x32: {  	v45 =	vld [tilespmem:$0x260]  }
0x33: {  	v46 =	vld [tilespmem:$0x70]  }
0x34: {  	v47 =	vld [tilespmem:$0x270]  }
0x35: {  	v48 =	vld [tilespmem:$0x80]  }
0x36: {  	v49 =	vld [tilespmem:$0x280]  }
0x37: {  	v50 =	vld [tilespmem:$0x90]  }
0x38: {  	v51 =	vld [tilespmem:$0x290]  }
0x39: {  	v52 =	vld [tilespmem:$0xA0]  }
0x3a: {  	v53 =	vld [tilespmem:$0x2A0]  }
0x3b: {  	v54 =	vld [tilespmem:$0xB0]  }
0x3c: {  	v55 =	vld [tilespmem:$0x2B0]  }
0x3d: {  	v56 =	vld [tilespmem:$0xC0]  }
0x3e: {  	v57 =	vld [tilespmem:$0x2C0]  }
0x3f: {  	v58 =	vld [tilespmem:$0xD0]  }
0x40: {  	v59 =	vld [tilespmem:$0x2D0]  }
0x41: {  	v60 =	vld [tilespmem:$0xE0]  }
0x42: {  	v61 =	vld [tilespmem:$0x2E0]  }
0x43: {  	v62 =	vld [tilespmem:$0xF0]  }
0x44: {  	v63 =	vld [tilespmem:$0x2F0]  }
0x45: {  	v1 =	vld [tilespmem:$0x100]  }
0x46: {  	v2 =	vld [tilespmem:$0x300]  }
0x47: {  	v3 =	vld [tilespmem:$0x110]  }
0x48: {  	v4 =	vld [tilespmem:$0x310]  }
0x49: {  	v5 =	vld [tilespmem:$0x120];
	v32 =	vshll.u32 v32, $0x7  }
0x4a: {  	v40 =	vshll.u32 v40, $0x7;
	v32 =	vadd.s32 v33, v32;
	v33 =	vshll.u32 v34, $0x7;
	v34 =	vld [tilespmem:$0x320]  }
0x4b: {  	v42 =	vshll.u32 v42, $0x7;
	v41 =	vadd.s32 v41, v40;
	v40 =	vld [tilespmem:$0x350];
	[tilespmem:$0x400] =	vst v32  }
0x4c: {  	v44 =	vshll.u32 v44, $0x7;
	v46 =	vshll.u32 v46, $0x7;
	v43 =	vadd.s32 v43, v42;
	v42 =	vld [tilespmem:$0x360];
	[tilespmem:$0x440] =	vst v41  }
0x4d: {  	v48 =	vshll.u32 v48, $0x7;
	v50 =	vshll.u32 v50, $0x7;
	v45 =	vadd.s32 v45, v44;
	v44 =	vld [tilespmem:$0x370];
	[tilespmem:$0x450] =	vst v43  }
0x4e: {  	v52 =	vshll.u32 v52, $0x7;
	v54 =	vshll.u32 v54, $0x7;
	v47 =	vadd.s32 v47, v46;
	v46 =	vld [tilespmem:$0x380];
	[tilespmem:$0x460] =	vst v45  }
0x4f: {  	v56 =	vshll.u32 v56, $0x7;
	v49 =	vadd.s32 v49, v48;
	v55 =	vadd.s32 v55, v54;
	v54 =	vld [tilespmem:$0x390];
	[tilespmem:$0x470] =	vst v47  }
0x50: {  	v1 =	vshll.u32 v1, $0x7;
	v51 =	vadd.s32 v51, v50;
	v48 =	vadd.s32 v57, v56;
	v56 =	vld [tilespmem:$0x1A0];
	[tilespmem:$0x480] =	vst v49  }
0x51: {  	v53 =	vadd.s32 v53, v52;
	v1 =	vadd.s32 v2, v1;
	v2 =	vshll.u32 v3, $0x7;
	v3 =	vld [tilespmem:$0x3A0];
	[tilespmem:$0x490] =	vst v51  }
0x52: {  	v57 =	vld [tilespmem:$0x1C0];
	[tilespmem:$0x4A0] =	vst v53  }
0x53: {  	v32 =	vadd.s32 v35, v33;
	v35 =	vld [tilespmem:$0x130];
	[tilespmem:$0x4B0] =	vst v55  }
0x54: {  	v33 =	vshll.u32 v38, $0x7;
	v38 =	vld [tilespmem:$0x340];
	[tilespmem:$0x4C0] =	vst v48  }
0x55: {  	v41 =	vld [tilespmem:$0x160];
	[tilespmem:$0x500] =	vst v1  }
0x56: {  	v36 =	vshll.u32 v36, $0x7;
	v43 =	vld [tilespmem:$0x170];
	v1 =	vadd.s32 v4, v2;
	[tilespmem:$0x410] =	vst v32  }
0x57: {  	v49 =	vshll.u32 v58, $0x7;
	v32 =	vadd.s32 v37, v36;
	v36 =	vld [tilespmem:$0x330];
	[tilespmem:$0x510] =	vst v1  }
0x58: {  	v51 =	vshll.u32 v60, $0x7;
	v37 =	vld [tilespmem:$0x140];
	v50 =	vadd.s32 v59, v49;
	[tilespmem:$0x420] =	vst v32  }
0x59: {  	v53 =	vshll.u32 v62, $0x7;
	v52 =	vadd.s32 v61, v51;
	v32 =	vadd.s32 v39, v33;
	v39 =	vld [tilespmem:$0x150];
	[tilespmem:$0x4D0] =	vst v50  }
0x5a: {  	v45 =	vld [tilespmem:$0x180];
	v55 =	vadd.s32 v63, v53;
	[tilespmem:$0x4E0] =	vst v52  }
0x5b: {  	v47 =	vld [tilespmem:$0x190];
	v2 =	vshll.u32 v5, $0x7;
	[tilespmem:$0x4F0] =	vst v55  }
0x5c: {  	v4 =	vld [tilespmem:$0x1B0];
	[tilespmem:$0x430] =	vst v32;
	v1 =	vadd.s32 v34, v2;
	v2 =	vshll.u32 v35, $0x7  }
0x5d: {  	v5 =	vld [tilespmem:$0x3B0];
	[tilespmem:$0x520] =	vst v1;
	v1 =	vadd.s32 v36, v2;
	v2 =	vshll.u32 v37, $0x7  }
0x5e: {  	v58 =	vld [tilespmem:$0x3C0];
	[tilespmem:$0x530] =	vst v1;
	v1 =	vadd.s32 v38, v2;
	v2 =	vshll.u32 v39, $0x7  }
0x5f: {  	v60 =	vld [tilespmem:$0x3D0];
	[tilespmem:$0x540] =	vst v1;
	v1 =	vadd.s32 v40, v2;
	v2 =	vshll.u32 v41, $0x7  }
0x60: {  	v62 =	vld [tilespmem:$0x3E0];
	[tilespmem:$0x550] =	vst v1;
	v1 =	vadd.s32 v42, v2;
	v2 =	vshll.u32 v43, $0x7  }
0x61: {  	v59 =	vld [tilespmem:$0x1D0];
	[tilespmem:$0x560] =	vst v1;
	v1 =	vadd.s32 v44, v2;
	v2 =	vshll.u32 v45, $0x7  }
0x62: {  	v61 =	vld [tilespmem:$0x1E0];
	[tilespmem:$0x570] =	vst v1;
	v1 =	vadd.s32 v46, v2;
	v2 =	vshll.u32 v47, $0x7  }
0x63: {  	v63 =	vld [tilespmem:$0x1F0];
	[tilespmem:$0x580] =	vst v1;
	v1 =	vadd.s32 v54, v2;
	v2 =	vshll.u32 v56, $0x7  }
0x64: {  	[tilespmem:$0x590] =	vst v1;
	v1 =	vadd.s32 v3, v2;
	v2 =	vshll.u32 v4, $0x7;
	v3 =	vld [tilespmem:$0x3F0]  }
0x65: {  	[tilespmem:$0x5A0] =	vst v1;
	v1 =	vadd.s32 v5, v2;
	v2 =	vshll.u32 v57, $0x7  }
0x66: {  	[tilespmem:$0x5B0] =	vst v1;
	v1 =	vadd.s32 v58, v2;
	v2 =	vshll.u32 v59, $0x7  }
0x67: {  	[tilespmem:$0x5C0] =	vst v1;
	v1 =	vadd.s32 v60, v2;
	v2 =	vshll.u32 v61, $0x7  }
0x68: {  	[tilespmem:$0x5D0] =	vst v1;
	v1 =	vadd.s32 v62, v2;
	v2 =	vshll.u32 v63, $0x7  }
0x69: {  	[tilespmem:$0x5E0] =	vst v1;
	v1 =	vadd.s32 v3, v2  }
0x6a: {  	[tilespmem:$0x5F0] =	vst v1  }
0x6b: {  	[tilespmem:s10], [sflag:$0x1] =	stream.indirect.gather [hbm4b:s0+s9], $0x80, s5, s9, $0xb8;
	[tilespmem:$0x10C00] =	vst v63  }
0x6c: {  	_ = 	snop  }
0x6d: {  	[tilespmem:s11], [sflag:$0x1] =	stream.indirect.gather [hbm4b:s0+s9], $0x80, s9, s9, $0xb8;
	[tilespmem:$0x10C00] =	vst v63  }
0x6e: {  	_ = 	snop  }
0x6f: {  	[tilespmem:s13], [sflag:$0x1] =	stream.indirect.gather [hbm4b:s0+s9], $0x80, s12, s9, $0xb8;
	[tilespmem:$0x10C00] =	vst v63  }
0x70: {  	_ = 	snop  }
0x71: {  	[tilespmem:s15], [sflag:$0x1] =	stream.indirect.gather [hbm4b:s0+s9], $0x80, s14, s9, $0xb8;
	[tilespmem:$0x10C00] =	vst v63  }
0x72: {  	_ = 	snop  }
0x73: {  	[tilespmem:s17], [sflag:$0x2] =	stream.indirect.gather [hbm4b:s2+s9], $0x1, s16, s9, $0xb8;
	[tilespmem:$0x10C00] =	vst v63  }
0x74: {  	_ = 	snop  }
0x75: {  	[tilespmem:s18], [sflag:$0x2] =	stream.indirect.gather [hbm4b:s3+s9], $0x1, s16, s9, $0xb8;
	[tilespmem:$0x10C00] =	vst v63  }
0x76: {  	_ = 	snop  }
0x77: {  	[tilespmem:s20], [sflag:$0x2] =	stream.indirect.gather [hbm4b:s2+s9], $0x1, s19, s9, $0xb8;
	[tilespmem:$0x10C00] =	vst v63  }
0x78: {  	_ = 	snop  }
0x79: {  	[tilespmem:s21], [sflag:$0x2] =	stream.indirect.gather [hbm4b:s3+s9], $0x1, s19, s9, $0xb8;
	[tilespmem:$0x10C00] =	vst v63  }
0x7a: {  	_ = 	snop  }
0x7b: {  	[tilespmem:s23], [sflag:$0x2] =	stream.indirect.gather [hbm4b:s2+s9], $0x1, s22, s9, $0xb8;
	[tilespmem:$0x10C00] =	vst v63  }
0x7c: {  	_ = 	snop  }
0x7d: {  	[tilespmem:s24], [sflag:$0x2] =	stream.indirect.gather [hbm4b:s3+s9], $0x1, s22, s9, $0xb8;
	[tilespmem:$0x10C00] =	vst v63  }
0x7e: {  	_ = 	snop  }
0x7f: {  	[tilespmem:s26], [sflag:$0x2] =	stream.indirect.gather [hbm4b:s2+s9], $0x1, s25, s9, $0xb8;
	[tilespmem:$0x10C00] =	vst v63  }
0x80: {  	_ = 	snop  }
0x81: {  	[tilespmem:s28], [sflag:$0x2] =	stream.indirect.gather [hbm4b:s3+s9], $0x1, s25, s9, $0xb8;
	[tilespmem:$0x10C00] =	vst v63  }
0x82: {  	_ =	swait.ge [sflag:s29], $0x4000  }
0x83: {  	[sflag:s29] =	ssyncset.done $0x0  }
0x84: {  	s4 =	rddreg [dreg:$0xa];
	[sflag:s29] =	ssyncadd.s32 $0xFFFFC000  }
0x85: {  	[hbm4b:s4+s5] =	stream.linear.scatter [tilespmem:s10], [sflag:$0x3], $0x4000, $0x38;
	[tilespmem:$0x10C00] =	vst v63  }
0x86: {  	v1 =	vld [tilespmem:$0x200];
	_ =	sdelay $0x4  }
0x87: {  	v3 =	vld [tilespmem:$0x1FFB0];
	v1 =	vadd.s32 v0, v1  }
0x88: {  	v2 =	vld [tilespmem:$0x210];
	_ =	sdelay $0x3  }
0x89: {  	v1 =	vld.idx.msk [tilespmem:v1+s10+$0x0], $0xffff  }
0x8a: {  	v2 =	vadd.s32 v3, v2;
	_ =	sdelay $0x3  }
0x8b: {  	v3 =	vld [tilespmem:$0x220];
	[tilespmem:$0x10600] =	vst v1  }
0x8c: {  	v1 =	vld.idx.msk [tilespmem:v2+s10+$0x0], $0xffff  }
0x8d: {  	v2 =	vld [tilespmem:$0x1FFC0];
	_ =	sdelay $0x4  }
0x8e: {  	v2 =	vadd.s32 v2, v3;
	_ =	sdelay $0x3  }
0x8f: {  	v3 =	vld [tilespmem:$0x230];
	[tilespmem:$0x10610] =	vst v1  }
0x90: {  	v1 =	vld.idx.msk [tilespmem:v2+s10+$0x0], $0xffff  }
0x91: {  	v2 =	vld [tilespmem:$0x1FFD0];
	_ =	sdelay $0x4  }
0x92: {  	v2 =	vadd.s32 v2, v3;
	_ =	sdelay $0x3  }
0x93: {  	v3 =	vld [tilespmem:$0x240];
	[tilespmem:$0x10620] =	vst v1  }
0x94: {  	v1 =	vld.idx.msk [tilespmem:v2+s10+$0x0], $0xffff  }
0x95: {  	v2 =	vld [tilespmem:$0x1FFE0];
	_ =	sdelay $0x4  }
0x96: {  	v2 =	vadd.s32 v2, v3;
	_ =	sdelay $0x3  }
0x97: {  	v3 =	vld [tilespmem:$0x250];
	[tilespmem:$0x10630] =	vst v1  }
0x98: {  	v1 =	vld.idx.msk [tilespmem:v2+s10+$0x0], $0xffff  }
0x99: {  	v2 =	vld [tilespmem:$0x1FFF0];
	_ =	sdelay $0x4  }
0x9a: {  	v2 =	vadd.s32 v2, v3  }
0x9b: {  	v3 =	vld [tilespmem:$0x260];
	_ =	sdelay $0x2  }
0x9c: {  	[tilespmem:$0x10640] =	vst v1  }
0x9d: {  	v1 =	vld.idx.msk [tilespmem:v2+s10+$0x0], $0xffff  }
0x9e: {  	v2 =	vadd.s32 v6, v3  }
0x9f: {  	v3 =	vld [tilespmem:$0x270];
	_ =	sdelay $0x2  }
0xa0: {  	[tilespmem:$0x10650] =	vst v1  }
0xa1: {  	v1 =	vld.idx.msk [tilespmem:v2+s10+$0x0], $0xffff  }
0xa2: {  	v2 =	vadd.s32 v7, v3;
	_ =	sdelay $0x3  }
0xa3: {  	[tilespmem:$0x10660] =	vst v1  }
0xa4: {  	v1 =	vld.idx.msk [tilespmem:v2+s10+$0x0], $0xffff;
	_ =	sdelay $0x4  }
0xa5: {  	[tilespmem:$0x10670] =	vst v1  }
0xa6: {  	_ =	swait.ge [sflag:s29], $0x4000  }
0xa7: {  	[sflag:s29] =	ssyncset.done $0x0  }
0xa8: {  	s4 =	rddreg [dreg:$0xb];
	[sflag:s29] =	ssyncadd.s32 $0xFFFFC000  }
0xa9: {  	[hbm4b:s4+s5] =	stream.linear.scatter [tilespmem:s11], [sflag:$0x3], $0x4000, $0x38;
	[tilespmem:$0x10C00] =	vst v63  }
0xaa: {  	v1 =	vld [tilespmem:$0x280];
	_ =	sdelay $0x4  }
0xab: {  	v1 =	vadd.s32 v8, v1  }
0xac: {  	v2 =	vld [tilespmem:$0x290];
	_ =	sdelay $0x3  }
0xad: {  	v1 =	vld.idx.msk [tilespmem:v1+s10+$0x0], $0xffff  }
0xae: {  	v2 =	vadd.s32 v9, v2  }
0xaf: {  	v3 =	vld [tilespmem:$0x2A0];
	_ =	sdelay $0x2  }
0xb0: {  	[tilespmem:$0x10680] =	vst v1  }
0xb1: {  	v1 =	vld.idx.msk [tilespmem:v2+s10+$0x0], $0xffff  }
0xb2: {  	v2 =	vadd.s32 v10, v3  }
0xb3: {  	v3 =	vld [tilespmem:$0x2B0];
	_ =	sdelay $0x2  }
0xb4: {  	[tilespmem:$0x10690] =	vst v1  }
0xb5: {  	v1 =	vld.idx.msk [tilespmem:v2+s10+$0x0], $0xffff  }
0xb6: {  	v2 =	vadd.s32 v11, v3  }
0xb7: {  	v3 =	vld [tilespmem:$0x2C0];
	_ =	sdelay $0x2  }
0xb8: {  	[tilespmem:$0x106A0] =	vst v1  }
0xb9: {  	v1 =	vld.idx.msk [tilespmem:v2+s10+$0x0], $0xffff  }
0xba: {  	v2 =	vadd.s32 v12, v3  }
0xbb: {  	v3 =	vld [tilespmem:$0x2D0];
	_ =	sdelay $0x2  }
0xbc: {  	[tilespmem:$0x106B0] =	vst v1  }
0xbd: {  	v1 =	vld.idx.msk [tilespmem:v2+s10+$0x0], $0xffff  }
0xbe: {  	v2 =	vadd.s32 v13, v3  }
0xbf: {  	v3 =	vld [tilespmem:$0x2E0];
	_ =	sdelay $0x2  }
0xc0: {  	[tilespmem:$0x106C0] =	vst v1  }
0xc1: {  	v1 =	vld.idx.msk [tilespmem:v2+s10+$0x0], $0xffff  }
0xc2: {  	v2 =	vadd.s32 v14, v3  }
0xc3: {  	v3 =	vld [tilespmem:$0x2F0];
	_ =	sdelay $0x2  }
0xc4: {  	[tilespmem:$0x106D0] =	vst v1  }
0xc5: {  	v1 =	vld.idx.msk [tilespmem:v2+s10+$0x0], $0xffff  }
0xc6: {  	v2 =	vadd.s32 v15, v3;
	_ =	sdelay $0x3  }
0xc7: {  	[tilespmem:$0x106E0] =	vst v1  }
0xc8: {  	v1 =	vld.idx.msk [tilespmem:v2+s10+$0x0], $0xffff;
	_ =	sdelay $0x4  }
0xc9: {  	[tilespmem:$0x106F0] =	vst v1  }
0xca: {  	_ =	swait.ge [sflag:s29], $0x4000  }
0xcb: {  	[sflag:s29] =	ssyncset.done $0x0  }
0xcc: {  	s4 =	rddreg [dreg:$0xc];
	[sflag:s29] =	ssyncadd.s32 $0xFFFFC000  }
0xcd: {  	[hbm4b:s4+s5] =	stream.linear.scatter [tilespmem:s13], [sflag:$0x3], $0x4000, $0x38;
	[tilespmem:$0x10C00] =	vst v63  }
0xce: {  	v1 =	vld [tilespmem:$0x300];
	_ =	sdelay $0x4  }
0xcf: {  	v1 =	vadd.s32 v16, v1  }
0xd0: {  	v2 =	vld [tilespmem:$0x310];
	_ =	sdelay $0x3  }
0xd1: {  	v1 =	vld.idx.msk [tilespmem:v1+s10+$0x0], $0xffff  }
0xd2: {  	v2 =	vadd.s32 v17, v2  }
0xd3: {  	v3 =	vld [tilespmem:$0x320];
	_ =	sdelay $0x2  }
0xd4: {  	[tilespmem:$0x10700] =	vst v1  }
0xd5: {  	v1 =	vld.idx.msk [tilespmem:v2+s10+$0x0], $0xffff  }
0xd6: {  	v2 =	vadd.s32 v18, v3  }
0xd7: {  	v3 =	vld [tilespmem:$0x330];
	_ =	sdelay $0x2  }
0xd8: {  	[tilespmem:$0x10710] =	vst v1  }
0xd9: {  	v1 =	vld.idx.msk [tilespmem:v2+s10+$0x0], $0xffff  }
0xda: {  	v2 =	vadd.s32 v19, v3  }
0xdb: {  	v3 =	vld [tilespmem:$0x340];
	_ =	sdelay $0x2  }
0xdc: {  	[tilespmem:$0x10720] =	vst v1  }
0xdd: {  	v1 =	vld.idx.msk [tilespmem:v2+s10+$0x0], $0xffff  }
0xde: {  	v2 =	vadd.s32 v20, v3  }
0xdf: {  	v3 =	vld [tilespmem:$0x350];
	_ =	sdelay $0x2  }
0xe0: {  	[tilespmem:$0x10730] =	vst v1  }
0xe1: {  	v1 =	vld.idx.msk [tilespmem:v2+s10+$0x0], $0xffff  }
0xe2: {  	v2 =	vadd.s32 v21, v3  }
0xe3: {  	v3 =	vld [tilespmem:$0x360];
	_ =	sdelay $0x2  }
0xe4: {  	[tilespmem:$0x10740] =	vst v1  }
0xe5: {  	v1 =	vld.idx.msk [tilespmem:v2+s10+$0x0], $0xffff  }
0xe6: {  	v2 =	vadd.s32 v22, v3  }
0xe7: {  	v3 =	vld [tilespmem:$0x370];
	_ =	sdelay $0x2  }
0xe8: {  	[tilespmem:$0x10750] =	vst v1  }
0xe9: {  	v1 =	vld.idx.msk [tilespmem:v2+s10+$0x0], $0xffff  }
0xea: {  	v2 =	vadd.s32 v23, v3;
	_ =	sdelay $0x3  }
0xeb: {  	[tilespmem:$0x10760] =	vst v1  }
0xec: {  	v1 =	vld.idx.msk [tilespmem:v2+s10+$0x0], $0xffff;
	_ =	sdelay $0x4  }
0xed: {  	[tilespmem:$0x10770] =	vst v1  }
0xee: {  	_ =	swait.ge [sflag:s29], $0x4000  }
0xef: {  	[sflag:s29] =	ssyncset.done $0x0  }
0xf0: {  	s4 =	rddreg [dreg:$0xd];
	[sflag:s29] =	ssyncadd.s32 $0xFFFFC000  }
0xf1: {  	[hbm4b:s4+s5] =	stream.linear.scatter [tilespmem:s15], [sflag:$0x3], $0x4000, $0x38;
	[tilespmem:$0x10C00] =	vst v63  }
0xf2: {  	v1 =	vld [tilespmem:$0x380];
	_ =	sdelay $0x4  }
0xf3: {  	v1 =	vadd.s32 v24, v1  }
0xf4: {  	v2 =	vld [tilespmem:$0x390];
	_ =	sdelay $0x3  }
0xf5: {  	v1 =	vld.idx.msk [tilespmem:v1+s10+$0x0], $0xffff  }
0xf6: {  	v2 =	vadd.s32 v25, v2  }
0xf7: {  	v3 =	vld [tilespmem:$0x3A0];
	_ =	sdelay $0x2  }
0xf8: {  	[tilespmem:$0x10780] =	vst v1  }
0xf9: {  	v1 =	vld.idx.msk [tilespmem:v2+s10+$0x0], $0xffff  }
0xfa: {  	v2 =	vadd.s32 v26, v3  }
0xfb: {  	v3 =	vld [tilespmem:$0x3B0];
	_ =	sdelay $0x2  }
0xfc: {  	[tilespmem:$0x10790] =	vst v1  }
0xfd: {  	v1 =	vld.idx.msk [tilespmem:v2+s10+$0x0], $0xffff  }
0xfe: {  	v2 =	vadd.s32 v27, v3  }
0xff: {  	v3 =	vld [tilespmem:$0x3C0];
	_ =	sdelay $0x2  }
0x100: {  	[tilespmem:$0x107A0] =	vst v1  }
0x101: {  	v1 =	vld.idx.msk [tilespmem:v2+s10+$0x0], $0xffff  }
0x102: {  	v2 =	vadd.s32 v28, v3  }
0x103: {  	v3 =	vld [tilespmem:$0x3D0];
	_ =	sdelay $0x2  }
0x104: {  	[tilespmem:$0x107B0] =	vst v1  }
0x105: {  	v1 =	vld.idx.msk [tilespmem:v2+s10+$0x0], $0xffff  }
0x106: {  	v2 =	vadd.s32 v29, v3  }
0x107: {  	v3 =	vld [tilespmem:$0x3E0];
	_ =	sdelay $0x2  }
0x108: {  	[tilespmem:$0x107C0] =	vst v1  }
0x109: {  	v1 =	vld.idx.msk [tilespmem:v2+s10+$0x0], $0xffff  }
0x10a: {  	v2 =	vadd.s32 v30, v3  }
0x10b: {  	v3 =	vld [tilespmem:$0x3F0];
	_ =	sdelay $0x2  }
0x10c: {  	[tilespmem:$0x107D0] =	vst v1  }
0x10d: {  	v1 =	vld.idx.msk [tilespmem:v2+s10+$0x0], $0xffff  }
0x10e: {  	v2 =	vadd.s32 v31, v3;
	_ =	sdelay $0x3  }
0x10f: {  	[tilespmem:$0x107E0] =	vst v1  }
0x110: {  	v1 =	vld.idx.msk [tilespmem:v2+s10+$0x0], $0xffff;
	_ =	sdelay $0x4  }
0x111: {  	[tilespmem:$0x107F0] =	vst v1  }
0x112: {  	_ =	swait.ge [sflag:s30], $0x80  }
0x113: {  	[sflag:s30] =	ssyncset.done $0x0  }
0x114: {  	[sflag:s30] =	ssyncadd.s32 $0xFFFFFF80  }
0x115: {  	_ =	swait.ge [sflag:s30], $0x80  }
0x116: {  	[sflag:s30] =	ssyncset.done $0x0  }
0x117: {  	[sflag:s30] =	ssyncadd.s32 $0xFFFFFF80  }
0x118: {  	_ =	swait.ge [sflag:s30], $0x80  }
0x119: {  	[sflag:s30] =	ssyncset.done $0x0  }
0x11a: {  	[sflag:s30] =	ssyncadd.s32 $0xFFFFFF80  }
0x11b: {  	_ =	swait.ge [sflag:s30], $0x80  }
0x11c: {  	[sflag:s30] =	ssyncset.done $0x0  }
0x11d: {  	[sflag:s30] =	ssyncadd.s32 $0xFFFFFF80  }
0x11e: {  	_ =	swait.ge [sflag:s30], $0x80  }
0x11f: {  	[sflag:s30] =	ssyncset.done $0x0  }
0x120: {  	[sflag:s30] =	ssyncadd.s32 $0xFFFFFF80  }
0x121: {  	_ =	swait.ge [sflag:s30], $0x80  }
0x122: {  	[sflag:s30] =	ssyncset.done $0x0  }
0x123: {  	[sflag:s30] =	ssyncadd.s32 $0xFFFFFF80  }
0x124: {  	_ =	swait.ge [sflag:s30], $0x80  }
0x125: {  	[sflag:s30] =	ssyncset.done $0x0  }
0x126: {  	[sflag:s30] =	ssyncadd.s32 $0xFFFFFF80  }
0x127: {  	_ =	swait.ge [sflag:s30], $0x80  }
0x128: {  	[sflag:s30] =	ssyncset.done $0x0  }
0x129: {  	s4 =	rddreg [dreg:$0xe];
	[sflag:s30] =	ssyncadd.s32 $0xFFFFFF80  }
0x12a: {  	[hbm4b:s4+s5] =	stream.linear.scatter [tilespmem:s31], [sflag:$0x4], $0x200, $0x38;
	[tilespmem:$0x10C00] =	vst v63  }
0x12b: {  	_ =	swait.ge [sflag:s7], $0x200  }
0x12c: {  	[sflag:s7] =	ssyncset.done $0x0  }
0x12d: {  	s4 =	rddreg [dreg:$0xf];
	[sflag:s7] =	ssyncadd.s32 $0xFFFFFE00  }
0x12e: {  	[hbm4b:s4+s5] =	stream.linear.scatter [tilespmem:s17], [sflag:$0x4], $0x200, $0x38;
	[tilespmem:$0x10C00] =	vst v63  }
0x12f: {  	_ =	swait.ge [sflag:s7], $0x200  }
0x130: {  	[sflag:s7] =	ssyncset.done $0x0  }
0x131: {  	s4 =	rddreg [dreg:$0x10];
	[sflag:s7] =	ssyncadd.s32 $0xFFFFFE00  }
0x132: {  	[hbm4b:s4+s5] =	stream.linear.scatter [tilespmem:s18], [sflag:$0x4], $0x200, $0x38;
	[tilespmem:$0x10C00] =	vst v63  }
0x133: {  	_ =	swait.ge [sflag:s7], $0x200  }
0x134: {  	[sflag:s7] =	ssyncset.done $0x0  }
0x135: {  	[sflag:s7] =	ssyncadd.s32 $0xFFFFFE00  }
0x136: {  	_ =	swait.ge [sflag:s1], $0x4000  }
0x137: {  	[sflag:s1] =	ssyncset.done $0x0  }
0x138: {  	[sflag:s1] =	ssyncadd.s32 $0xFFFFC000  }
0x139: {  	_ =	swait.ge [sflag:s1], $0x4000  }
0x13a: {  	[sflag:s1] =	ssyncset.done $0x0  }
0x13b: {  	[sflag:s1] =	ssyncadd.s32 $0xFFFFC000  }
0x13c: {  	p0 =	sne.s32 s6, $0x1;
	_ =	swait.ge [sflag:s1], $0x4000  }
.Ltmp0:
0x13d: {  	[sflag:s1] =	ssyncset.done $0x0;
	(pc) =	sbr.rel @p0 .LBB2_1-.Ltmp0, $4  }
0x13e: {  	[sflag:s1] =	ssyncadd.s32 $0xFFFFC000  }
0x13f: {  	_ =	swait.ge [sflag:s1], $0x4000  }
0x140: {  	[sflag:s1] =	ssyncset.done $0x0  }
0x141: {  	s6 =	sadd.s32 $0xFFFFFFFF, s6;
	[sflag:s1] =	ssyncadd.s32 $0xFFFFC000  }
0x142: {  	_ =	sfence.sel $0x180000  }
0x143: {  	[bflag:$0x0] =	sbarrier.arrive $0xFFFF  }
0x144: {  	_ =	strace $0x90000047  }
0x145: {  	s0 =	stileid.u32;
	[bflag:$0x2] =	sbarrier.arrive $0xFFFF  }
0x146: {  	p0 =	sne.s32 s0, $0x0;
	s0 =	rddreg [dreg:$0x7]  }
0x147: {  	s0 =	sadd.s32 @!p0 $0x100000, s0  }
0x148: {  	[sflag:s0] =	ssyncadd.tile.s32 @!p0 $0x1;
	_ =	shalt  }
.Lfunc_end2:
_tile_overlayer_lowered:
.L_overlay_start_2:
0x149: {  	(tag) =	ssettag $0x2  }
0x14a: {  	s0 =	rddreg [dreg:$0x0];
	s2 =	stileid.u32  }
0x14b: {  	s1 =	rddreg [dreg:$0x1];
	p0 =	sne.s32 s2, $0x0  }
0x14c: {  	s3 =	rddreg [dreg:$0x2];
	[bflag:$0x3] =	sbarrier.arrive $0xFFFF;
	s2 =	simm.s32 @!p0 $0x1C04  }
0x14d: {  	[timem:s3], [sflag:s2] =	dma.local @!p0 [hbm:s0], s1  }
0x14e: {  	s0 =	simm.s32 @!p0 $0x4  }
0x14f: {  	_ =	swait.ge @!p0 [sflag:s0], s1  }
0x150: {  	s1 =	ssub.s32 @!p0 $0x0, s1;
	[sflag:s0] =	ssyncset.done @!p0 $0x0  }
0x151: {  	[sflag:s0] =	ssyncadd.s32 @!p0 s1  }
0x152: {  	[bflag:$0x3] =	sbarrier.arrive $0xFFFF  }
0x153: {  	_ =	shalt  }

</sc_bundles>
